<compile_context>
chip_gen: v7x
topology: tpu7x:2x2x1
jax: 0.10.2.dev20260603
libtpu: 0.0.44.dev20260713+nightly
codegen_flags: <defaults>
</compile_context>

<pallas_src>
import functools

import jax
import jax.numpy as jnp
from jax import lax
from jax.experimental import pallas as pl
from jax.experimental.pallas import tpu as pltpu
from jax.experimental.pallas import tpu_sc as plsc

NW = 32
RB = 128
NB = 6


@functools.lru_cache(maxsize=None)
def _build(n: int, v: int, d: int):
    assert n % 8 == 0 and v % 16 == 0
    q8, r8 = divmod(n // 8, NW)
    cb = q8 * 8
    ca = cb + 8
    fa, pa = divmod(ca, RB)
    fb, pb = divmod(cb, RB)
    assert fa >= NB and fb >= NB
    off_b = r8 * ca

    mesh = plsc.VectorSubcoreMesh(core_axis_name="c", subcore_axis_name="s")

    @functools.partial(
        pl.kernel,
        mesh=mesh,
        out_type=jax.ShapeDtypeStruct((n, d), jnp.float32),
        scratch_types=[
            pltpu.VMEM((ca,), jnp.int32),
            pltpu.VMEM((NB, RB, d), jnp.float32),
            pltpu.VMEM_SHARED((v, d), jnp.float32),
        ]
        + [pltpu.SemaphoreType.DMA] * (2 * NB + 1),
    )
    def gather_kernel(idx_hbm, table_hbm, out_hbm, idx_v, rows_v, table_sh,
                      *sems):
        gsem = sems[:NB]
        wsem = sems[NB : 2 * NB]
        tsem = sems[2 * NB]
        cid = lax.axis_index("c")
        sid = lax.axis_index("s")
        wid = sid * 2 + cid
        is_a = wid < r8
        nfull = jnp.where(is_a, fa, fb)
        base = jnp.where(is_a, wid * ca, off_b + (wid - r8) * cb)
        base = pl.multiple_of(base, 8)

        vt = v // 16
        pltpu.async_copy(
            table_hbm.at[pl.ds(sid * vt, vt)],
            table_sh.at[pl.ds(sid * vt, vt)],
            tsem,
        )

        def stage_idx(count):
            pltpu.async_copy(
                idx_hbm.at[pl.ds(base, count)],
                idx_v.at[pl.ds(0, count)],
                gsem[1],
            )
            pltpu.make_async_copy(
                idx_hbm.at[pl.ds(base, count)],
                idx_v.at[pl.ds(0, count)],
                gsem[1],
            ).wait()

        @pl.when(is_a)
        def _():
            stage_idx(ca)

        @pl.when(jnp.logical_not(is_a))
        def _():
            stage_idx(cb)

        def start_gather(s, b):
            pltpu.async_copy(
                table_sh.at[idx_v.at[pl.ds(s * RB, RB)]], rows_v.at[b], gsem[b]
            )

        def wait_gather(s, b):
            pltpu.make_async_copy(
                table_sh.at[idx_v.at[pl.ds(s * RB, RB)]], rows_v.at[b], gsem[b]
            ).wait()

        def start_write(s, b):
            pltpu.async_copy(
                rows_v.at[b], out_hbm.at[pl.ds(base + s * RB, RB)], wsem[b]
            )

        def wait_write(b):
            pltpu.make_async_copy(
                rows_v.at[b], out_hbm.at[pl.ds(0, RB)], wsem[b]
            ).wait()

        pltpu.make_async_copy(
            table_hbm.at[pl.ds(sid * vt, vt)],
            table_sh.at[pl.ds(sid * vt, vt)],
            tsem,
        ).wait()
        plsc.subcore_barrier()

        for b in range(NB):
            start_gather(b, b)

        def body(s, _):
            def step(c):
                cg = (c + 2) % NB
                @pl.when((s >= NB - 2) & (s + 2 < nfull))
                def _():
                    wait_write(cg)
                    start_gather(s + 2, cg)

                wait_gather(s, c)
                start_write(s, c)

            cur = lax.rem(s, NB)
            for c in range(NB):
                @pl.when(cur == c)
                def _(c=c):
                    step(c)

            return _

        lax.fori_loop(0, nfull, body, None)

        def epilogue(f, p):
            c_p = f % NB
            if p:
                wait_write(c_p)
                pltpu.async_copy(
                    table_sh.at[idx_v.at[pl.ds(f * RB, p)]],
                    rows_v.at[c_p].at[pl.ds(0, p)],
                    gsem[c_p],
                )
                pltpu.make_async_copy(
                    table_sh.at[idx_v.at[pl.ds(f * RB, p)]],
                    rows_v.at[c_p].at[pl.ds(0, p)],
                    gsem[c_p],
                ).wait()
                pltpu.async_copy(
                    rows_v.at[c_p].at[pl.ds(0, p)],
                    out_hbm.at[pl.ds(base + f * RB, p)],
                    wsem[c_p],
                )
            for b in range(NB):
                if p and b == c_p:
                    continue
                wait_write(b)
            if p:
                pltpu.make_async_copy(
                    rows_v.at[c_p].at[pl.ds(0, p)],
                    out_hbm.at[pl.ds(0, p)],
                    wsem[c_p],
                ).wait()

        @pl.when(is_a)
        def _():
            epilogue(fa, pa)

        @pl.when(jnp.logical_not(is_a))
        def _():
            epilogue(fb, pb)

    return gather_kernel


def kernel(x, inf_embed):
    n = x.shape[0]
    v, d = inf_embed.shape
    idx = x.astype(jnp.int32)
    return _build(n, v, d)(idx, inf_embed)

# --- scband reference (transcript-rebuilt; emitter-appended) ---
"""Pipeline reference for scband-influence-encoding-41308995452938 (READ-ONLY COPY).

The authoritative reference and input builder live on the scoring server;
editing this copy changes nothing except your own understanding.
"""

import jax, jax.numpy as jnp
import numpy as np

DEG_COUNT = 2048
D_MODEL = 128
N = 100000

def setup_inputs(seed: int = 0) -> dict:
    key = jax.random.key(seed)
    k1, k2 = jax.random.split(key)
    x = jax.random.randint(k1, (N,), 0, DEG_COUNT, dtype=jnp.int64 if jax.config.jax_enable_x64 else jnp.int32)
    # learned embedding table (nn.Embedding default init: N(0,1))
    inf_embed = jax.random.normal(k2, (DEG_COUNT, D_MODEL), dtype=jnp.float32)
    return {"x": x, "inf_embed": inf_embed}

def reference(x, inf_embed):
    # x = x.long(); inf_x = self.inf_embed(x)
    idx = x.astype(jnp.int32)
    inf_x = jnp.take(inf_embed, idx, axis=0)
    return inf_x

if __name__ == "__main__":
    import jax
    _d = setup_inputs()
    print(jax.jit(kernel)(*tuple(_d.values())))

</pallas_src>

<mosaic_0001>
#map = affine_map<(d0, d1) -> (0)>
#map1 = affine_map<(d0, d1) -> (0, 0)>
module attributes {stable_mosaic.version = 14 : i64} {
  func.func @gather_kernel(%arg0: i32, %arg1: i32, %arg2: memref<100000xi32, #tpu.memory_space<hbm>>, %arg3: memref<2048x128xf32, #tpu.memory_space<hbm>>, %arg4: memref<100000x128xf32, #tpu.memory_space<hbm>>, %arg5: memref<3128xi32, #tpu.memory_space<vmem>>, %arg6: memref<6x128x128xf32, #tpu.memory_space<vmem>>, %arg7: memref<2048x128xf32, #tpu.memory_space<vmem_shared>>, %arg8: memref<!tpu.dma_semaphore, #tpu.memory_space<semaphore_mem>>, %arg9: memref<!tpu.dma_semaphore, #tpu.memory_space<semaphore_mem>>, %arg10: memref<!tpu.dma_semaphore, #tpu.memory_space<semaphore_mem>>, %arg11: memref<!tpu.dma_semaphore, #tpu.memory_space<semaphore_mem>>, %arg12: memref<!tpu.dma_semaphore, #tpu.memory_space<semaphore_mem>>, %arg13: memref<!tpu.dma_semaphore, #tpu.memory_space<semaphore_mem>>, %arg14: memref<!tpu.dma_semaphore, #tpu.memory_space<semaphore_mem>>, %arg15: memref<!tpu.dma_semaphore, #tpu.memory_space<semaphore_mem>>, %arg16: memref<!tpu.dma_semaphore, #tpu.memory_space<semaphore_mem>>, %arg17: memref<!tpu.dma_semaphore, #tpu.memory_space<semaphore_mem>>, %arg18: memref<!tpu.dma_semaphore, #tpu.memory_space<semaphore_mem>>, %arg19: memref<!tpu.dma_semaphore, #tpu.memory_space<semaphore_mem>>, %arg20: memref<!tpu.dma_semaphore, #tpu.memory_space<semaphore_mem>>) attributes {dimension_semantics = [#tpu.dimension_semantics<core_parallel>, #tpu.dimension_semantics<subcore_parallel>], iteration_bounds = array<i64: 2, 16>, scalar_prefetch = 0 : i64, scratch_operands = 16 : i64, tpu.core_type = #tpu.core_type<sc_vector_subcore>, window_params = [{transform_indices = #map}, {transform_indices = #map1}, {transform_indices = #map1}]} {
    %mul3A = arith.constant 2 : i32
    %mul3A_0 = arith.muli %arg1, %mul3A : i32
    %add3A = arith.addi %mul3A_0, %arg0 : i32
    %lt3A = arith.constant 20 : i32
    %lt3A_1 = arith.cmpi slt, %add3A, %lt3A : i32
    %jit3A = arith.constant 24 : i32
    %jit3A_2 = arith.constant 24 : i32
    %select_n3A = arith.select %lt3A_1, %jit3A, %jit3A_2 : i32
    %mul3A_3 = arith.constant 3128 : i32
    %mul3A_4 = arith.muli %add3A, %mul3A_3 : i32
    %sub3A = arith.constant 20 : i32
    %sub3A_5 = arith.subi %add3A, %sub3A : i32
    %mul3A_6 = arith.constant 3120 : i32
    %mul3A_7 = arith.muli %sub3A_5, %mul3A_6 : i32
    %add3A_8 = arith.constant 62560 : i32
    %add3A_9 = arith.addi %add3A_8, %mul3A_7 : i32
    %select_n3A_10 = arith.select %lt3A_1, %mul3A_4, %add3A_9 : i32
    %multiple_of3A = tpu.assume_multiple %select_n3A_10, 8 : i32
    %mul3A_11 = arith.constant 128 : i32
    %mul3A_12 = arith.muli %arg1, %mul3A_11 : i32
    %mul3A_13 = arith.constant 128 : i32
    %mul3A_14 = arith.muli %arg1, %mul3A_13 : i32
    %dma_start3A = arith.constant 0 : i32
    %dma_start3A_15 = tpu.memref_slice %arg7[%mul3A_14, %dma_start3A] : memref<2048x128xf32, #tpu.memory_space<vmem_shared>> -> memref<128x128xf32, #tpu.memory_space<vmem_shared>>
    %dma_start3A_16 = arith.constant 0 : i32
    %dma_start3A_17 = tpu.memref_slice %arg3[%mul3A_12, %dma_start3A_16] : memref<2048x128xf32, #tpu.memory_space<hbm>> -> memref<128x128xf32, #tpu.memory_space<hbm>>
    tpu.enqueue_dma source(%dma_start3A_17 : memref<128x128xf32, #tpu.memory_space<hbm>>) target(%dma_start3A_15 : memref<128x128xf32, #tpu.memory_space<vmem_shared>>) target_semaphore(%arg20 : memref<!tpu.dma_semaphore, #tpu.memory_space<semaphore_mem>>)
    %convert_element_type3A = arith.extui %lt3A_1 : i1 to i32
    %cond3A = arith.constant 0 : i32
    %cond3A_18 = arith.cmpi ne, %convert_element_type3A, %cond3A : i32
    scf.if %cond3A_18 {
      %dma_start3A_106 = arith.constant 0 : i32
      %dma_start3A_107 = tpu.memref_slice %arg5[%dma_start3A_106] : memref<3128xi32, #tpu.memory_space<vmem>> -> memref<3128xi32, #tpu.memory_space<vmem>>
      %dma_start3A_108 = tpu.memref_slice %arg2[%multiple_of3A] : memref<100000xi32, #tpu.memory_space<hbm>> -> memref<3128xi32, #tpu.memory_space<hbm>>
      %dma_start3A_109 = arith.constant 0 : i32
      %dma_start3A_110 = tpu.memref_slice %arg5[%dma_start3A_109] : memref<3128xi32, #tpu.memory_space<vmem>> -> memref<3128xi32, #tpu.memory_space<vmem>>
      %dma_start3A_111 = tpu.memref_slice %arg2[%multiple_of3A] : memref<100000xi32, #tpu.memory_space<hbm>> -> memref<3128xi32, #tpu.memory_space<hbm>>
      tpu.enqueue_dma source(%dma_start3A_111 : memref<3128xi32, #tpu.memory_space<hbm>>) target(%dma_start3A_110 : memref<3128xi32, #tpu.memory_space<vmem>>) target_semaphore(%arg9 : memref<!tpu.dma_semaphore, #tpu.memory_space<semaphore_mem>>)
      %dma_wait3A_112 = arith.constant 0 : i32
      %dma_wait3A_113 = tpu.memref_slice %arg5[%dma_wait3A_112] : memref<3128xi32, #tpu.memory_space<vmem>> -> memref<3128xi32, #tpu.memory_space<vmem>>
      %dma_wait3A_114 = tpu.memref_slice %arg2[%multiple_of3A] : memref<100000xi32, #tpu.memory_space<hbm>> -> memref<3128xi32, #tpu.memory_space<hbm>>
      %dma_wait3A_115 = arith.constant 0 : i32
      %dma_wait3A_116 = tpu.memref_slice %arg5[%dma_wait3A_115] : memref<3128xi32, #tpu.memory_space<vmem>> -> memref<3128xi32, #tpu.memory_space<vmem>>
      %dma_wait3A_117 = tpu.memref_slice %arg2[%multiple_of3A] : memref<100000xi32, #tpu.memory_space<hbm>> -> memref<3128xi32, #tpu.memory_space<hbm>>
      tpu.wait_dma2 semaphore(%arg9 : memref<!tpu.dma_semaphore, #tpu.memory_space<semaphore_mem>>) src(%dma_wait3A_117 : memref<3128xi32, #tpu.memory_space<hbm>>) dst(%dma_wait3A_116 : memref<3128xi32, #tpu.memory_space<vmem>>)
    } else {
    }
    %not3A = arith.constant true
    %not3A_19 = arith.xori %lt3A_1, %not3A : i1
    %convert_element_type3A_20 = arith.extui %not3A_19 : i1 to i32
    %cond3A_21 = arith.constant 0 : i32
    %cond3A_22 = arith.cmpi ne, %convert_element_type3A_20, %cond3A_21 : i32
    scf.if %cond3A_22 {
      %dma_start3A_106 = arith.constant 0 : i32
      %dma_start3A_107 = tpu.memref_slice %arg5[%dma_start3A_106] : memref<3128xi32, #tpu.memory_space<vmem>> -> memref<3120xi32, #tpu.memory_space<vmem>>
      %dma_start3A_108 = tpu.memref_slice %arg2[%multiple_of3A] : memref<100000xi32, #tpu.memory_space<hbm>> -> memref<3120xi32, #tpu.memory_space<hbm>>
      %dma_start3A_109 = arith.constant 0 : i32
      %dma_start3A_110 = tpu.memref_slice %arg5[%dma_start3A_109] : memref<3128xi32, #tpu.memory_space<vmem>> -> memref<3120xi32, #tpu.memory_space<vmem>>
      %dma_start3A_111 = tpu.memref_slice %arg2[%multiple_of3A] : memref<100000xi32, #tpu.memory_space<hbm>> -> memref<3120xi32, #tpu.memory_space<hbm>>
      tpu.enqueue_dma source(%dma_start3A_111 : memref<3120xi32, #tpu.memory_space<hbm>>) target(%dma_start3A_110 : memref<3120xi32, #tpu.memory_space<vmem>>) target_semaphore(%arg9 : memref<!tpu.dma_semaphore, #tpu.memory_space<semaphore_mem>>)
      %dma_wait3A_112 = arith.constant 0 : i32
      %dma_wait3A_113 = tpu.memref_slice %arg5[%dma_wait3A_112] : memref<3128xi32, #tpu.memory_space<vmem>> -> memref<3120xi32, #tpu.memory_space<vmem>>
      %dma_wait3A_114 = tpu.memref_slice %arg2[%multiple_of3A] : memref<100000xi32, #tpu.memory_space<hbm>> -> memref<3120xi32, #tpu.memory_space<hbm>>
      %dma_wait3A_115 = arith.constant 0 : i32
      %dma_wait3A_116 = tpu.memref_slice %arg5[%dma_wait3A_115] : memref<3128xi32, #tpu.memory_space<vmem>> -> memref<3120xi32, #tpu.memory_space<vmem>>
      %dma_wait3A_117 = tpu.memref_slice %arg2[%multiple_of3A] : memref<100000xi32, #tpu.memory_space<hbm>> -> memref<3120xi32, #tpu.memory_space<hbm>>
      tpu.wait_dma2 semaphore(%arg9 : memref<!tpu.dma_semaphore, #tpu.memory_space<semaphore_mem>>) src(%dma_wait3A_117 : memref<3120xi32, #tpu.memory_space<hbm>>) dst(%dma_wait3A_116 : memref<3120xi32, #tpu.memory_space<vmem>>)
    } else {
    }
    %mul3A_23 = arith.constant 128 : i32
    %mul3A_24 = arith.muli %arg1, %mul3A_23 : i32
    %mul3A_25 = arith.constant 128 : i32
    %mul3A_26 = arith.muli %arg1, %mul3A_25 : i32
    %dma_wait3A = arith.constant 0 : i32
    %dma_wait3A_27 = tpu.memref_slice %arg7[%mul3A_26, %dma_wait3A] : memref<2048x128xf32, #tpu.memory_space<vmem_shared>> -> memref<128x128xf32, #tpu.memory_space<vmem_shared>>
    %dma_wait3A_28 = arith.constant 0 : i32
    %dma_wait3A_29 = tpu.memref_slice %arg3[%mul3A_24, %dma_wait3A_28] : memref<2048x128xf32, #tpu.memory_space<hbm>> -> memref<128x128xf32, #tpu.memory_space<hbm>>
    tpu.wait_dma2 semaphore(%arg20 : memref<!tpu.dma_semaphore, #tpu.memory_space<semaphore_mem>>) src(%dma_wait3A_29 : memref<128x128xf32, #tpu.memory_space<hbm>>) dst(%dma_wait3A_27 : memref<128x128xf32, #tpu.memory_space<vmem_shared>>)
    %barrier3A = arith.constant 0 : index
    tpu.barrier barrier_id(%barrier3A)
    %dma_start3A_30 = arith.constant 0 : i32
    %dma_start3A_31 = arith.constant 0 : i32
    %dma_start3A_32 = arith.constant 0 : i32
    %dma_start3A_33 = tpu.memref_slice %arg6[%dma_start3A_30, %dma_start3A_31, %dma_start3A_32] : memref<6x128x128xf32, #tpu.memory_space<vmem>> -> memref<1x128x128xf32, #tpu.memory_space<vmem>>
    %dma_start3A_34 = tpu.memref_squeeze %dma_start3A_33 : memref<1x128x128xf32, #tpu.memory_space<vmem>> -> memref<128x128xf32, #tpu.memory_space<vmem>>
    %dma_start3A_35 = arith.constant 0 : i32
    %dma_start3A_36 = tpu.memref_slice %arg5[%dma_start3A_35] : memref<3128xi32, #tpu.memory_space<vmem>> -> memref<128xi32, #tpu.memory_space<vmem>>
    %dma_start3A_37 = arith.constant 0 : i32
    %dma_start3A_38 = arith.constant 0 : i32
    %dma_start3A_39 = tpu.memref_slice %arg7[%dma_start3A_37, %dma_start3A_38] : memref<2048x128xf32, #tpu.memory_space<vmem_shared>> -> memref<2048x128xf32, #tpu.memory_space<vmem_shared>>
    tpu.enqueue_indirect_dma source(%dma_start3A_39 : memref<2048x128xf32, #tpu.memory_space<vmem_shared>>) target(%dma_start3A_34 : memref<128x128xf32, #tpu.memory_space<vmem>>) offsets(%dma_start3A_36 : memref<128xi32, #tpu.memory_space<vmem>>) semaphore(%arg8 : memref<!tpu.dma_semaphore, #tpu.memory_space<semaphore_mem>>)
    %dma_start3A_40 = arith.constant 1 : i32
    %dma_start3A_41 = arith.constant 0 : i32
    %dma_start3A_42 = arith.constant 0 : i32
    %dma_start3A_43 = tpu.memref_slice %arg6[%dma_start3A_40, %dma_start3A_41, %dma_start3A_42] : memref<6x128x128xf32, #tpu.memory_space<vmem>> -> memref<1x128x128xf32, #tpu.memory_space<vmem>>
    %dma_start3A_44 = tpu.memref_squeeze %dma_start3A_43 : memref<1x128x128xf32, #tpu.memory_space<vmem>> -> memref<128x128xf32, #tpu.memory_space<vmem>>
    %dma_start3A_45 = arith.constant 128 : i32
    %dma_start3A_46 = tpu.memref_slice %arg5[%dma_start3A_45] : memref<3128xi32, #tpu.memory_space<vmem>> -> memref<128xi32, #tpu.memory_space<vmem>>
    %dma_start3A_47 = arith.constant 0 : i32
    %dma_start3A_48 = arith.constant 0 : i32
    %dma_start3A_49 = tpu.memref_slice %arg7[%dma_start3A_47, %dma_start3A_48] : memref<2048x128xf32, #tpu.memory_space<vmem_shared>> -> memref<2048x128xf32, #tpu.memory_space<vmem_shared>>
    tpu.enqueue_indirect_dma source(%dma_start3A_49 : memref<2048x128xf32, #tpu.memory_space<vmem_shared>>) target(%dma_start3A_44 : memref<128x128xf32, #tpu.memory_space<vmem>>) offsets(%dma_start3A_46 : memref<128xi32, #tpu.memory_space<vmem>>) semaphore(%arg9 : memref<!tpu.dma_semaphore, #tpu.memory_space<semaphore_mem>>)
    %dma_start3A_50 = arith.constant 2 : i32
    %dma_start3A_51 = arith.constant 0 : i32
    %dma_start3A_52 = arith.constant 0 : i32
    %dma_start3A_53 = tpu.memref_slice %arg6[%dma_start3A_50, %dma_start3A_51, %dma_start3A_52] : memref<6x128x128xf32, #tpu.memory_space<vmem>> -> memref<1x128x128xf32, #tpu.memory_space<vmem>>
    %dma_start3A_54 = tpu.memref_squeeze %dma_start3A_53 : memref<1x128x128xf32, #tpu.memory_space<vmem>> -> memref<128x128xf32, #tpu.memory_space<vmem>>
    %dma_start3A_55 = arith.constant 256 : i32
    %dma_start3A_56 = tpu.memref_slice %arg5[%dma_start3A_55] : memref<3128xi32, #tpu.memory_space<vmem>> -> memref<128xi32, #tpu.memory_space<vmem>>
    %dma_start3A_57 = arith.constant 0 : i32
    %dma_start3A_58 = arith.constant 0 : i32
    %dma_start3A_59 = tpu.memref_slice %arg7[%dma_start3A_57, %dma_start3A_58] : memref<2048x128xf32, #tpu.memory_space<vmem_shared>> -> memref<2048x128xf32, #tpu.memory_space<vmem_shared>>
    tpu.enqueue_indirect_dma source(%dma_start3A_59 : memref<2048x128xf32, #tpu.memory_space<vmem_shared>>) target(%dma_start3A_54 : memref<128x128xf32, #tpu.memory_space<vmem>>) offsets(%dma_start3A_56 : memref<128xi32, #tpu.memory_space<vmem>>) semaphore(%arg10 : memref<!tpu.dma_semaphore, #tpu.memory_space<semaphore_mem>>)
    %dma_start3A_60 = arith.constant 3 : i32
    %dma_start3A_61 = arith.constant 0 : i32
    %dma_start3A_62 = arith.constant 0 : i32
    %dma_start3A_63 = tpu.memref_slice %arg6[%dma_start3A_60, %dma_start3A_61, %dma_start3A_62] : memref<6x128x128xf32, #tpu.memory_space<vmem>> -> memref<1x128x128xf32, #tpu.memory_space<vmem>>
    %dma_start3A_64 = tpu.memref_squeeze %dma_start3A_63 : memref<1x128x128xf32, #tpu.memory_space<vmem>> -> memref<128x128xf32, #tpu.memory_space<vmem>>
    %dma_start3A_65 = arith.constant 384 : i32
    %dma_start3A_66 = tpu.memref_slice %arg5[%dma_start3A_65] : memref<3128xi32, #tpu.memory_space<vmem>> -> memref<128xi32, #tpu.memory_space<vmem>>
    %dma_start3A_67 = arith.constant 0 : i32
    %dma_start3A_68 = arith.constant 0 : i32
    %dma_start3A_69 = tpu.memref_slice %arg7[%dma_start3A_67, %dma_start3A_68] : memref<2048x128xf32, #tpu.memory_space<vmem_shared>> -> memref<2048x128xf32, #tpu.memory_space<vmem_shared>>
    tpu.enqueue_indirect_dma source(%dma_start3A_69 : memref<2048x128xf32, #tpu.memory_space<vmem_shared>>) target(%dma_start3A_64 : memref<128x128xf32, #tpu.memory_space<vmem>>) offsets(%dma_start3A_66 : memref<128xi32, #tpu.memory_space<vmem>>) semaphore(%arg11 : memref<!tpu.dma_semaphore, #tpu.memory_space<semaphore_mem>>)
    %dma_start3A_70 = arith.constant 4 : i32
    %dma_start3A_71 = arith.constant 0 : i32
    %dma_start3A_72 = arith.constant 0 : i32
    %dma_start3A_73 = tpu.memref_slice %arg6[%dma_start3A_70, %dma_start3A_71, %dma_start3A_72] : memref<6x128x128xf32, #tpu.memory_space<vmem>> -> memref<1x128x128xf32, #tpu.memory_space<vmem>>
    %dma_start3A_74 = tpu.memref_squeeze %dma_start3A_73 : memref<1x128x128xf32, #tpu.memory_space<vmem>> -> memref<128x128xf32, #tpu.memory_space<vmem>>
    %dma_start3A_75 = arith.constant 512 : i32
    %dma_start3A_76 = tpu.memref_slice %arg5[%dma_start3A_75] : memref<3128xi32, #tpu.memory_space<vmem>> -> memref<128xi32, #tpu.memory_space<vmem>>
    %dma_start3A_77 = arith.constant 0 : i32
    %dma_start3A_78 = arith.constant 0 : i32
    %dma_start3A_79 = tpu.memref_slice %arg7[%dma_start3A_77, %dma_start3A_78] : memref<2048x128xf32, #tpu.memory_space<vmem_shared>> -> memref<2048x128xf32, #tpu.memory_space<vmem_shared>>
    tpu.enqueue_indirect_dma source(%dma_start3A_79 : memref<2048x128xf32, #tpu.memory_space<vmem_shared>>) target(%dma_start3A_74 : memref<128x128xf32, #tpu.memory_space<vmem>>) offsets(%dma_start3A_76 : memref<128xi32, #tpu.memory_space<vmem>>) semaphore(%arg12 : memref<!tpu.dma_semaphore, #tpu.memory_space<semaphore_mem>>)
    %dma_start3A_80 = arith.constant 5 : i32
    %dma_start3A_81 = arith.constant 0 : i32
    %dma_start3A_82 = arith.constant 0 : i32
    %dma_start3A_83 = tpu.memref_slice %arg6[%dma_start3A_80, %dma_start3A_81, %dma_start3A_82] : memref<6x128x128xf32, #tpu.memory_space<vmem>> -> memref<1x128x128xf32, #tpu.memory_space<vmem>>
    %dma_start3A_84 = tpu.memref_squeeze %dma_start3A_83 : memref<1x128x128xf32, #tpu.memory_space<vmem>> -> memref<128x128xf32, #tpu.memory_space<vmem>>
    %dma_start3A_85 = arith.constant 640 : i32
    %dma_start3A_86 = tpu.memref_slice %arg5[%dma_start3A_85] : memref<3128xi32, #tpu.memory_space<vmem>> -> memref<128xi32, #tpu.memory_space<vmem>>
    %dma_start3A_87 = arith.constant 0 : i32
    %dma_start3A_88 = arith.constant 0 : i32
    %dma_start3A_89 = tpu.memref_slice %arg7[%dma_start3A_87, %dma_start3A_88] : memref<2048x128xf32, #tpu.memory_space<vmem_shared>> -> memref<2048x128xf32, #tpu.memory_space<vmem_shared>>
    tpu.enqueue_indirect_dma source(%dma_start3A_89 : memref<2048x128xf32, #tpu.memory_space<vmem_shared>>) target(%dma_start3A_84 : memref<128x128xf32, #tpu.memory_space<vmem>>) offsets(%dma_start3A_86 : memref<128xi32, #tpu.memory_space<vmem>>) semaphore(%arg13 : memref<!tpu.dma_semaphore, #tpu.memory_space<semaphore_mem>>)
    %while3A = arith.constant 0 : i32
    %while3A_90 = arith.subi %select_n3A, %while3A : i32
    %while3A_91 = arith.addi %while3A, %while3A_90 : i32
    %while3A_92 = arith.constant 1 : i32
    %while3A_93 = arith.divsi %while3A_90, %while3A_92 : i32
    %while3A_94 = arith.muli %while3A_93, %while3A_92 : i32
    %while3A_95 = arith.addi %while3A, %while3A_94 : i32
    %while3A_96 = arith.constant 1 : i32
    scf.for %while3A_106 = %while3A to %while3A_95 step %while3A_96  : i32 {
      %rem3A = arith.constant 6 : i32
      %rem3A_107 = arith.remsi %while3A_106, %rem3A : i32
      %eq3A = arith.constant 0 : i32
      %eq3A_108 = arith.cmpi eq, %rem3A_107, %eq3A : i32
      %convert_element_type3A_109 = arith.extui %eq3A_108 : i1 to i32
      %cond3A_110 = arith.constant 0 : i32
      %cond3A_111 = arith.cmpi ne, %convert_element_type3A_109, %cond3A_110 : i32
      scf.if %cond3A_111 {
        %ge3A = arith.constant 4 : i32
        %ge3A_137 = arith.cmpi sge, %while3A_106, %ge3A : i32
        %add3A_138 = arith.constant 2 : i32
        %add3A_139 = arith.addi %while3A_106, %add3A_138 : i32
        %lt3A_140 = arith.cmpi slt, %add3A_139, %select_n3A : i32
        %and3A = arith.andi %ge3A_137, %lt3A_140 : i1
        %convert_element_type3A_141 = arith.extui %and3A : i1 to i32
        %cond3A_142 = arith.constant 0 : i32
        %cond3A_143 = arith.cmpi ne, %convert_element_type3A_141, %cond3A_142 : i32
        scf.if %cond3A_143 {
          %dma_wait3A_171 = arith.constant 2 : i32
          %dma_wait3A_172 = arith.constant 0 : i32
          %dma_wait3A_173 = arith.constant 0 : i32
          %dma_wait3A_174 = tpu.memref_slice %arg6[%dma_wait3A_171, %dma_wait3A_172, %dma_wait3A_173] : memref<6x128x128xf32, #tpu.memory_space<vmem>> -> memref<1x128x128xf32, #tpu.memory_space<vmem>>
          %dma_wait3A_175 = tpu.memref_squeeze %dma_wait3A_174 : memref<1x128x128xf32, #tpu.memory_space<vmem>> -> memref<128x128xf32, #tpu.memory_space<vmem>>
          %dma_wait3A_176 = arith.constant 0 : i32
          %dma_wait3A_177 = arith.constant 0 : i32
          %dma_wait3A_178 = tpu.memref_slice %arg4[%dma_wait3A_176, %dma_wait3A_177] : memref<100000x128xf32, #tpu.memory_space<hbm>> -> memref<128x128xf32, #tpu.memory_space<hbm>>
          %dma_wait3A_179 = arith.constant 0 : i32
          %dma_wait3A_180 = arith.constant 0 : i32
          %dma_wait3A_181 = tpu.memref_slice %arg4[%dma_wait3A_179, %dma_wait3A_180] : memref<100000x128xf32, #tpu.memory_space<hbm>> -> memref<128x128xf32, #tpu.memory_space<hbm>>
          %dma_wait3A_182 = arith.constant 0 : i32
          %dma_wait3A_183 = arith.constant 0 : i32
          %dma_wait3A_184 = tpu.memref_slice %arg6[%dma_wait3A_171, %dma_wait3A_182, %dma_wait3A_183] : memref<6x128x128xf32, #tpu.memory_space<vmem>> -> memref<1x128x128xf32, #tpu.memory_space<vmem>>
          %dma_wait3A_185 = tpu.memref_squeeze %dma_wait3A_184 : memref<1x128x128xf32, #tpu.memory_space<vmem>> -> memref<128x128xf32, #tpu.memory_space<vmem>>
          tpu.wait_dma2 semaphore(%arg16 : memref<!tpu.dma_semaphore, #tpu.memory_space<semaphore_mem>>) src(%dma_wait3A_185 : memref<128x128xf32, #tpu.memory_space<vmem>>) dst(%dma_wait3A_181 : memref<128x128xf32, #tpu.memory_space<hbm>>)
          %add3A_186 = arith.constant 2 : i32
          %add3A_187 = arith.addi %while3A_106, %add3A_186 : i32
          %mul3A_188 = arith.constant 128 : i32
          %mul3A_189 = arith.muli %add3A_187, %mul3A_188 : i32
          %dma_start3A_190 = arith.constant 2 : i32
          %dma_start3A_191 = arith.constant 0 : i32
          %dma_start3A_192 = arith.constant 0 : i32
          %dma_start3A_193 = tpu.memref_slice %arg6[%dma_start3A_190, %dma_start3A_191, %dma_start3A_192] : memref<6x128x128xf32, #tpu.memory_space<vmem>> -> memref<1x128x128xf32, #tpu.memory_space<vmem>>
          %dma_start3A_194 = tpu.memref_squeeze %dma_start3A_193 : memref<1x128x128xf32, #tpu.memory_space<vmem>> -> memref<128x128xf32, #tpu.memory_space<vmem>>
          %dma_start3A_195 = tpu.memref_slice %arg5[%mul3A_189] : memref<3128xi32, #tpu.memory_space<vmem>> -> memref<128xi32, #tpu.memory_space<vmem>>
          %dma_start3A_196 = arith.constant 0 : i32
          %dma_start3A_197 = arith.constant 0 : i32
          %dma_start3A_198 = tpu.memref_slice %arg7[%dma_start3A_196, %dma_start3A_197] : memref<2048x128xf32, #tpu.memory_space<vmem_shared>> -> memref<2048x128xf32, #tpu.memory_space<vmem_shared>>
          tpu.enqueue_indirect_dma source(%dma_start3A_198 : memref<2048x128xf32, #tpu.memory_space<vmem_shared>>) target(%dma_start3A_194 : memref<128x128xf32, #tpu.memory_space<vmem>>) offsets(%dma_start3A_195 : memref<128xi32, #tpu.memory_space<vmem>>) semaphore(%arg10 : memref<!tpu.dma_semaphore, #tpu.memory_space<semaphore_mem>>)
        } else {
        }
        %mul3A_144 = arith.constant 128 : i32
        %mul3A_145 = arith.muli %while3A_106, %mul3A_144 : i32
        %dma_wait3A_146 = arith.constant 0 : i32
        %dma_wait3A_147 = arith.constant 0 : i32
        %dma_wait3A_148 = arith.constant 0 : i32
        %dma_wait3A_149 = tpu.memref_slice %arg6[%dma_wait3A_146, %dma_wait3A_147, %dma_wait3A_148] : memref<6x128x128xf32, #tpu.memory_space<vmem>> -> memref<1x128x128xf32, #tpu.memory_space<vmem>>
        %dma_wait3A_150 = tpu.memref_squeeze %dma_wait3A_149 : memref<1x128x128xf32, #tpu.memory_space<vmem>> -> memref<128x128xf32, #tpu.memory_space<vmem>>
        %dma_wait3A_151 = tpu.memref_slice %arg5[%mul3A_145] : memref<3128xi32, #tpu.memory_space<vmem>> -> memref<128xi32, #tpu.memory_space<vmem>>
        %dma_wait3A_152 = arith.constant 0 : i32
        %dma_wait3A_153 = arith.constant 0 : i32
        %dma_wait3A_154 = tpu.memref_slice %arg7[%dma_wait3A_152, %dma_wait3A_153] : memref<2048x128xf32, #tpu.memory_space<vmem_shared>> -> memref<2048x128xf32, #tpu.memory_space<vmem_shared>>
        tpu.wait_indirect_dma semaphore(%arg8 : memref<!tpu.dma_semaphore, #tpu.memory_space<semaphore_mem>>) src(%dma_wait3A_154 : memref<2048x128xf32, #tpu.memory_space<vmem_shared>>) dst(%dma_wait3A_150 : memref<128x128xf32, #tpu.memory_space<vmem>>)
        %mul3A_155 = arith.constant 128 : i32
        %mul3A_156 = arith.muli %while3A_106, %mul3A_155 : i32
        %add3A_157 = arith.addi %multiple_of3A, %mul3A_156 : i32
        %dma_start3A_158 = arith.constant 0 : i32
        %dma_start3A_159 = arith.constant 0 : i32
        %dma_start3A_160 = arith.constant 0 : i32
        %dma_start3A_161 = tpu.memref_slice %arg6[%dma_start3A_158, %dma_start3A_159, %dma_start3A_160] : memref<6x128x128xf32, #tpu.memory_space<vmem>> -> memref<1x128x128xf32, #tpu.memory_space<vmem>>
        %dma_start3A_162 = tpu.memref_squeeze %dma_start3A_161 : memref<1x128x128xf32, #tpu.memory_space<vmem>> -> memref<128x128xf32, #tpu.memory_space<vmem>>
        %dma_start3A_163 = arith.constant 0 : i32
        %dma_start3A_164 = tpu.memref_slice %arg4[%add3A_157, %dma_start3A_163] : memref<100000x128xf32, #tpu.memory_space<hbm>> -> memref<128x128xf32, #tpu.memory_space<hbm>>
        %dma_start3A_165 = arith.constant 0 : i32
        %dma_start3A_166 = tpu.memref_slice %arg4[%add3A_157, %dma_start3A_165] : memref<100000x128xf32, #tpu.memory_space<hbm>> -> memref<128x128xf32, #tpu.memory_space<hbm>>
        %dma_start3A_167 = arith.constant 0 : i32
        %dma_start3A_168 = arith.constant 0 : i32
        %dma_start3A_169 = tpu.memref_slice %arg6[%dma_start3A_158, %dma_start3A_167, %dma_start3A_168] : memref<6x128x128xf32, #tpu.memory_space<vmem>> -> memref<1x128x128xf32, #tpu.memory_space<vmem>>
        %dma_start3A_170 = tpu.memref_squeeze %dma_start3A_169 : memref<1x128x128xf32, #tpu.memory_space<vmem>> -> memref<128x128xf32, #tpu.memory_space<vmem>>
        tpu.enqueue_dma source(%dma_start3A_170 : memref<128x128xf32, #tpu.memory_space<vmem>>) target(%dma_start3A_166 : memref<128x128xf32, #tpu.memory_space<hbm>>) target_semaphore(%arg14 : memref<!tpu.dma_semaphore, #tpu.memory_space<semaphore_mem>>)
      } else {
      }
      %eq3A_112 = arith.constant 1 : i32
      %eq3A_113 = arith.cmpi eq, %rem3A_107, %eq3A_112 : i32
      %convert_element_type3A_114 = arith.extui %eq3A_113 : i1 to i32
      %cond3A_115 = arith.constant 0 : i32
      %cond3A_116 = arith.cmpi ne, %convert_element_type3A_114, %cond3A_115 : i32
      scf.if %cond3A_116 {
        %ge3A = arith.constant 4 : i32
        %ge3A_137 = arith.cmpi sge, %while3A_106, %ge3A : i32
        %add3A_138 = arith.constant 2 : i32
        %add3A_139 = arith.addi %while3A_106, %add3A_138 : i32
        %lt3A_140 = arith.cmpi slt, %add3A_139, %select_n3A : i32
        %and3A = arith.andi %ge3A_137, %lt3A_140 : i1
        %convert_element_type3A_141 = arith.extui %and3A : i1 to i32
        %cond3A_142 = arith.constant 0 : i32
        %cond3A_143 = arith.cmpi ne, %convert_element_type3A_141, %cond3A_142 : i32
        scf.if %cond3A_143 {
          %dma_wait3A_171 = arith.constant 3 : i32
          %dma_wait3A_172 = arith.constant 0 : i32
          %dma_wait3A_173 = arith.constant 0 : i32
          %dma_wait3A_174 = tpu.memref_slice %arg6[%dma_wait3A_171, %dma_wait3A_172, %dma_wait3A_173] : memref<6x128x128xf32, #tpu.memory_space<vmem>> -> memref<1x128x128xf32, #tpu.memory_space<vmem>>
          %dma_wait3A_175 = tpu.memref_squeeze %dma_wait3A_174 : memref<1x128x128xf32, #tpu.memory_space<vmem>> -> memref<128x128xf32, #tpu.memory_space<vmem>>
          %dma_wait3A_176 = arith.constant 0 : i32
          %dma_wait3A_177 = arith.constant 0 : i32
          %dma_wait3A_178 = tpu.memref_slice %arg4[%dma_wait3A_176, %dma_wait3A_177] : memref<100000x128xf32, #tpu.memory_space<hbm>> -> memref<128x128xf32, #tpu.memory_space<hbm>>
          %dma_wait3A_179 = arith.constant 0 : i32
          %dma_wait3A_180 = arith.constant 0 : i32
          %dma_wait3A_181 = tpu.memref_slice %arg4[%dma_wait3A_179, %dma_wait3A_180] : memref<100000x128xf32, #tpu.memory_space<hbm>> -> memref<128x128xf32, #tpu.memory_space<hbm>>
          %dma_wait3A_182 = arith.constant 0 : i32
          %dma_wait3A_183 = arith.constant 0 : i32
          %dma_wait3A_184 = tpu.memref_slice %arg6[%dma_wait3A_171, %dma_wait3A_182, %dma_wait3A_183] : memref<6x128x128xf32, #tpu.memory_space<vmem>> -> memref<1x128x128xf32, #tpu.memory_space<vmem>>
          %dma_wait3A_185 = tpu.memref_squeeze %dma_wait3A_184 : memref<1x128x128xf32, #tpu.memory_space<vmem>> -> memref<128x128xf32, #tpu.memory_space<vmem>>
          tpu.wait_dma2 semaphore(%arg17 : memref<!tpu.dma_semaphore, #tpu.memory_space<semaphore_mem>>) src(%dma_wait3A_185 : memref<128x128xf32, #tpu.memory_space<vmem>>) dst(%dma_wait3A_181 : memref<128x128xf32, #tpu.memory_space<hbm>>)
          %add3A_186 = arith.constant 2 : i32
          %add3A_187 = arith.addi %while3A_106, %add3A_186 : i32
          %mul3A_188 = arith.constant 128 : i32
          %mul3A_189 = arith.muli %add3A_187, %mul3A_188 : i32
          %dma_start3A_190 = arith.constant 3 : i32
          %dma_start3A_191 = arith.constant 0 : i32
          %dma_start3A_192 = arith.constant 0 : i32
          %dma_start3A_193 = tpu.memref_slice %arg6[%dma_start3A_190, %dma_start3A_191, %dma_start3A_192] : memref<6x128x128xf32, #tpu.memory_space<vmem>> -> memref<1x128x128xf32, #tpu.memory_space<vmem>>
          %dma_start3A_194 = tpu.memref_squeeze %dma_start3A_193 : memref<1x128x128xf32, #tpu.memory_space<vmem>> -> memref<128x128xf32, #tpu.memory_space<vmem>>
          %dma_start3A_195 = tpu.memref_slice %arg5[%mul3A_189] : memref<3128xi32, #tpu.memory_space<vmem>> -> memref<128xi32, #tpu.memory_space<vmem>>
          %dma_start3A_196 = arith.constant 0 : i32
          %dma_start3A_197 = arith.constant 0 : i32
          %dma_start3A_198 = tpu.memref_slice %arg7[%dma_start3A_196, %dma_start3A_197] : memref<2048x128xf32, #tpu.memory_space<vmem_shared>> -> memref<2048x128xf32, #tpu.memory_space<vmem_shared>>
          tpu.enqueue_indirect_dma source(%dma_start3A_198 : memref<2048x128xf32, #tpu.memory_space<vmem_shared>>) target(%dma_start3A_194 : memref<128x128xf32, #tpu.memory_space<vmem>>) offsets(%dma_start3A_195 : memref<128xi32, #tpu.memory_space<vmem>>) semaphore(%arg11 : memref<!tpu.dma_semaphore, #tpu.memory_space<semaphore_mem>>)
        } else {
        }
        %mul3A_144 = arith.constant 128 : i32
        %mul3A_145 = arith.muli %while3A_106, %mul3A_144 : i32
        %dma_wait3A_146 = arith.constant 1 : i32
        %dma_wait3A_147 = arith.constant 0 : i32
        %dma_wait3A_148 = arith.constant 0 : i32
        %dma_wait3A_149 = tpu.memref_slice %arg6[%dma_wait3A_146, %dma_wait3A_147, %dma_wait3A_148] : memref<6x128x128xf32, #tpu.memory_space<vmem>> -> memref<1x128x128xf32, #tpu.memory_space<vmem>>
        %dma_wait3A_150 = tpu.memref_squeeze %dma_wait3A_149 : memref<1x128x128xf32, #tpu.memory_space<vmem>> -> memref<128x128xf32, #tpu.memory_space<vmem>>
        %dma_wait3A_151 = tpu.memref_slice %arg5[%mul3A_145] : memref<3128xi32, #tpu.memory_space<vmem>> -> memref<128xi32, #tpu.memory_space<vmem>>
        %dma_wait3A_152 = arith.constant 0 : i32
        %dma_wait3A_153 = arith.constant 0 : i32
        %dma_wait3A_154 = tpu.memref_slice %arg7[%dma_wait3A_152, %dma_wait3A_153] : memref<2048x128xf32, #tpu.memory_space<vmem_shared>> -> memref<2048x128xf32, #tpu.memory_space<vmem_shared>>
        tpu.wait_indirect_dma semaphore(%arg9 : memref<!tpu.dma_semaphore, #tpu.memory_space<semaphore_mem>>) src(%dma_wait3A_154 : memref<2048x128xf32, #tpu.memory_space<vmem_shared>>) dst(%dma_wait3A_150 : memref<128x128xf32, #tpu.memory_space<vmem>>)
        %mul3A_155 = arith.constant 128 : i32
        %mul3A_156 = arith.muli %while3A_106, %mul3A_155 : i32
        %add3A_157 = arith.addi %multiple_of3A, %mul3A_156 : i32
        %dma_start3A_158 = arith.constant 1 : i32
        %dma_start3A_159 = arith.constant 0 : i32
        %dma_start3A_160 = arith.constant 0 : i32
        %dma_start3A_161 = tpu.memref_slice %arg6[%dma_start3A_158, %dma_start3A_159, %dma_start3A_160] : memref<6x128x128xf32, #tpu.memory_space<vmem>> -> memref<1x128x128xf32, #tpu.memory_space<vmem>>
        %dma_start3A_162 = tpu.memref_squeeze %dma_start3A_161 : memref<1x128x128xf32, #tpu.memory_space<vmem>> -> memref<128x128xf32, #tpu.memory_space<vmem>>
        %dma_start3A_163 = arith.constant 0 : i32
        %dma_start3A_164 = tpu.memref_slice %arg4[%add3A_157, %dma_start3A_163] : memref<100000x128xf32, #tpu.memory_space<hbm>> -> memref<128x128xf32, #tpu.memory_space<hbm>>
        %dma_start3A_165 = arith.constant 0 : i32
        %dma_start3A_166 = tpu.memref_slice %arg4[%add3A_157, %dma_start3A_165] : memref<100000x128xf32, #tpu.memory_space<hbm>> -> memref<128x128xf32, #tpu.memory_space<hbm>>
        %dma_start3A_167 = arith.constant 0 : i32
        %dma_start3A_168 = arith.constant 0 : i32
        %dma_start3A_169 = tpu.memref_slice %arg6[%dma_start3A_158, %dma_start3A_167, %dma_start3A_168] : memref<6x128x128xf32, #tpu.memory_space<vmem>> -> memref<1x128x128xf32, #tpu.memory_space<vmem>>
        %dma_start3A_170 = tpu.memref_squeeze %dma_start3A_169 : memref<1x128x128xf32, #tpu.memory_space<vmem>> -> memref<128x128xf32, #tpu.memory_space<vmem>>
        tpu.enqueue_dma source(%dma_start3A_170 : memref<128x128xf32, #tpu.memory_space<vmem>>) target(%dma_start3A_166 : memref<128x128xf32, #tpu.memory_space<hbm>>) target_semaphore(%arg15 : memref<!tpu.dma_semaphore, #tpu.memory_space<semaphore_mem>>)
      } else {
      }
      %eq3A_117 = arith.constant 2 : i32
      %eq3A_118 = arith.cmpi eq, %rem3A_107, %eq3A_117 : i32
      %convert_element_type3A_119 = arith.extui %eq3A_118 : i1 to i32
      %cond3A_120 = arith.constant 0 : i32
      %cond3A_121 = arith.cmpi ne, %convert_element_type3A_119, %cond3A_120 : i32
      scf.if %cond3A_121 {
        %ge3A = arith.constant 4 : i32
        %ge3A_137 = arith.cmpi sge, %while3A_106, %ge3A : i32
        %add3A_138 = arith.constant 2 : i32
        %add3A_139 = arith.addi %while3A_106, %add3A_138 : i32
        %lt3A_140 = arith.cmpi slt, %add3A_139, %select_n3A : i32
        %and3A = arith.andi %ge3A_137, %lt3A_140 : i1
        %convert_element_type3A_141 = arith.extui %and3A : i1 to i32
        %cond3A_142 = arith.constant 0 : i32
        %cond3A_143 = arith.cmpi ne, %convert_element_type3A_141, %cond3A_142 : i32
        scf.if %cond3A_143 {
          %dma_wait3A_171 = arith.constant 4 : i32
          %dma_wait3A_172 = arith.constant 0 : i32
          %dma_wait3A_173 = arith.constant 0 : i32
          %dma_wait3A_174 = tpu.memref_slice %arg6[%dma_wait3A_171, %dma_wait3A_172, %dma_wait3A_173] : memref<6x128x128xf32, #tpu.memory_space<vmem>> -> memref<1x128x128xf32, #tpu.memory_space<vmem>>
          %dma_wait3A_175 = tpu.memref_squeeze %dma_wait3A_174 : memref<1x128x128xf32, #tpu.memory_space<vmem>> -> memref<128x128xf32, #tpu.memory_space<vmem>>
          %dma_wait3A_176 = arith.constant 0 : i32
          %dma_wait3A_177 = arith.constant 0 : i32
          %dma_wait3A_178 = tpu.memref_slice %arg4[%dma_wait3A_176, %dma_wait3A_177] : memref<100000x128xf32, #tpu.memory_space<hbm>> -> memref<128x128xf32, #tpu.memory_space<hbm>>
          %dma_wait3A_179 = arith.constant 0 : i32
          %dma_wait3A_180 = arith.constant 0 : i32
          %dma_wait3A_181 = tpu.memref_slice %arg4[%dma_wait3A_179, %dma_wait3A_180] : memref<100000x128xf32, #tpu.memory_space<hbm>> -> memref<128x128xf32, #tpu.memory_space<hbm>>
          %dma_wait3A_182 = arith.constant 0 : i32
          %dma_wait3A_183 = arith.constant 0 : i32
          %dma_wait3A_184 = tpu.memref_slice %arg6[%dma_wait3A_171, %dma_wait3A_182, %dma_wait3A_183] : memref<6x128x128xf32, #tpu.memory_space<vmem>> -> memref<1x128x128xf32, #tpu.memory_space<vmem>>
          %dma_wait3A_185 = tpu.memref_squeeze %dma_wait3A_184 : memref<1x128x128xf32, #tpu.memory_space<vmem>> -> memref<128x128xf32, #tpu.memory_space<vmem>>
          tpu.wait_dma2 semaphore(%arg18 : memref<!tpu.dma_semaphore, #tpu.memory_space<semaphore_mem>>) src(%dma_wait3A_185 : memref<128x128xf32, #tpu.memory_space<vmem>>) dst(%dma_wait3A_181 : memref<128x128xf32, #tpu.memory_space<hbm>>)
          %add3A_186 = arith.constant 2 : i32
          %add3A_187 = arith.addi %while3A_106, %add3A_186 : i32
          %mul3A_188 = arith.constant 128 : i32
          %mul3A_189 = arith.muli %add3A_187, %mul3A_188 : i32
          %dma_start3A_190 = arith.constant 4 : i32
          %dma_start3A_191 = arith.constant 0 : i32
          %dma_start3A_192 = arith.constant 0 : i32
          %dma_start3A_193 = tpu.memref_slice %arg6[%dma_start3A_190, %dma_start3A_191, %dma_start3A_192] : memref<6x128x128xf32, #tpu.memory_space<vmem>> -> memref<1x128x128xf32, #tpu.memory_space<vmem>>
          %dma_start3A_194 = tpu.memref_squeeze %dma_start3A_193 : memref<1x128x128xf32, #tpu.memory_space<vmem>> -> memref<128x128xf32, #tpu.memory_space<vmem>>
          %dma_start3A_195 = tpu.memref_slice %arg5[%mul3A_189] : memref<3128xi32, #tpu.memory_space<vmem>> -> memref<128xi32, #tpu.memory_space<vmem>>
          %dma_start3A_196 = arith.constant 0 : i32
          %dma_start3A_197 = arith.constant 0 : i32
          %dma_start3A_198 = tpu.memref_slice %arg7[%dma_start3A_196, %dma_start3A_197] : memref<2048x128xf32, #tpu.memory_space<vmem_shared>> -> memref<2048x128xf32, #tpu.memory_space<vmem_shared>>
          tpu.enqueue_indirect_dma source(%dma_start3A_198 : memref<2048x128xf32, #tpu.memory_space<vmem_shared>>) target(%dma_start3A_194 : memref<128x128xf32, #tpu.memory_space<vmem>>) offsets(%dma_start3A_195 : memref<128xi32, #tpu.memory_space<vmem>>) semaphore(%arg12 : memref<!tpu.dma_semaphore, #tpu.memory_space<semaphore_mem>>)
        } else {
        }
        %mul3A_144 = arith.constant 128 : i32
        %mul3A_145 = arith.muli %while3A_106, %mul3A_144 : i32
        %dma_wait3A_146 = arith.constant 2 : i32
        %dma_wait3A_147 = arith.constant 0 : i32
        %dma_wait3A_148 = arith.constant 0 : i32
        %dma_wait3A_149 = tpu.memref_slice %arg6[%dma_wait3A_146, %dma_wait3A_147, %dma_wait3A_148] : memref<6x128x128xf32, #tpu.memory_space<vmem>> -> memref<1x128x128xf32, #tpu.memory_space<vmem>>
        %dma_wait3A_150 = tpu.memref_squeeze %dma_wait3A_149 : memref<1x128x128xf32, #tpu.memory_space<vmem>> -> memref<128x128xf32, #tpu.memory_space<vmem>>
        %dma_wait3A_151 = tpu.memref_slice %arg5[%mul3A_145] : memref<3128xi32, #tpu.memory_space<vmem>> -> memref<128xi32, #tpu.memory_space<vmem>>
        %dma_wait3A_152 = arith.constant 0 : i32
        %dma_wait3A_153 = arith.constant 0 : i32
        %dma_wait3A_154 = tpu.memref_slice %arg7[%dma_wait3A_152, %dma_wait3A_153] : memref<2048x128xf32, #tpu.memory_space<vmem_shared>> -> memref<2048x128xf32, #tpu.memory_space<vmem_shared>>
        tpu.wait_indirect_dma semaphore(%arg10 : memref<!tpu.dma_semaphore, #tpu.memory_space<semaphore_mem>>) src(%dma_wait3A_154 : memref<2048x128xf32, #tpu.memory_space<vmem_shared>>) dst(%dma_wait3A_150 : memref<128x128xf32, #tpu.memory_space<vmem>>)
        %mul3A_155 = arith.constant 128 : i32
        %mul3A_156 = arith.muli %while3A_106, %mul3A_155 : i32
        %add3A_157 = arith.addi %multiple_of3A, %mul3A_156 : i32
        %dma_start3A_158 = arith.constant 2 : i32
        %dma_start3A_159 = arith.constant 0 : i32
        %dma_start3A_160 = arith.constant 0 : i32
        %dma_start3A_161 = tpu.memref_slice %arg6[%dma_start3A_158, %dma_start3A_159, %dma_start3A_160] : memref<6x128x128xf32, #tpu.memory_space<vmem>> -> memref<1x128x128xf32, #tpu.memory_space<vmem>>
        %dma_start3A_162 = tpu.memref_squeeze %dma_start3A_161 : memref<1x128x128xf32, #tpu.memory_space<vmem>> -> memref<128x128xf32, #tpu.memory_space<vmem>>
        %dma_start3A_163 = arith.constant 0 : i32
        %dma_start3A_164 = tpu.memref_slice %arg4[%add3A_157, %dma_start3A_163] : memref<100000x128xf32, #tpu.memory_space<hbm>> -> memref<128x128xf32, #tpu.memory_space<hbm>>
        %dma_start3A_165 = arith.constant 0 : i32
        %dma_start3A_166 = tpu.memref_slice %arg4[%add3A_157, %dma_start3A_165] : memref<100000x128xf32, #tpu.memory_space<hbm>> -> memref<128x128xf32, #tpu.memory_space<hbm>>
        %dma_start3A_167 = arith.constant 0 : i32
        %dma_start3A_168 = arith.constant 0 : i32
        %dma_start3A_169 = tpu.memref_slice %arg6[%dma_start3A_158, %dma_start3A_167, %dma_start3A_168] : memref<6x128x128xf32, #tpu.memory_space<vmem>> -> memref<1x128x128xf32, #tpu.memory_space<vmem>>
        %dma_start3A_170 = tpu.memref_squeeze %dma_start3A_169 : memref<1x128x128xf32, #tpu.memory_space<vmem>> -> memref<128x128xf32, #tpu.memory_space<vmem>>
        tpu.enqueue_dma source(%dma_start3A_170 : memref<128x128xf32, #tpu.memory_space<vmem>>) target(%dma_start3A_166 : memref<128x128xf32, #tpu.memory_space<hbm>>) target_semaphore(%arg16 : memref<!tpu.dma_semaphore, #tpu.memory_space<semaphore_mem>>)
      } else {
      }
      %eq3A_122 = arith.constant 3 : i32
      %eq3A_123 = arith.cmpi eq, %rem3A_107, %eq3A_122 : i32
      %convert_element_type3A_124 = arith.extui %eq3A_123 : i1 to i32
      %cond3A_125 = arith.constant 0 : i32
      %cond3A_126 = arith.cmpi ne, %convert_element_type3A_124, %cond3A_125 : i32
      scf.if %cond3A_126 {
        %ge3A = arith.constant 4 : i32
        %ge3A_137 = arith.cmpi sge, %while3A_106, %ge3A : i32
        %add3A_138 = arith.constant 2 : i32
        %add3A_139 = arith.addi %while3A_106, %add3A_138 : i32
        %lt3A_140 = arith.cmpi slt, %add3A_139, %select_n3A : i32
        %and3A = arith.andi %ge3A_137, %lt3A_140 : i1
        %convert_element_type3A_141 = arith.extui %and3A : i1 to i32
        %cond3A_142 = arith.constant 0 : i32
        %cond3A_143 = arith.cmpi ne, %convert_element_type3A_141, %cond3A_142 : i32
        scf.if %cond3A_143 {
          %dma_wait3A_171 = arith.constant 5 : i32
          %dma_wait3A_172 = arith.constant 0 : i32
          %dma_wait3A_173 = arith.constant 0 : i32
          %dma_wait3A_174 = tpu.memref_slice %arg6[%dma_wait3A_171, %dma_wait3A_172, %dma_wait3A_173] : memref<6x128x128xf32, #tpu.memory_space<vmem>> -> memref<1x128x128xf32, #tpu.memory_space<vmem>>
          %dma_wait3A_175 = tpu.memref_squeeze %dma_wait3A_174 : memref<1x128x128xf32, #tpu.memory_space<vmem>> -> memref<128x128xf32, #tpu.memory_space<vmem>>
          %dma_wait3A_176 = arith.constant 0 : i32
          %dma_wait3A_177 = arith.constant 0 : i32
          %dma_wait3A_178 = tpu.memref_slice %arg4[%dma_wait3A_176, %dma_wait3A_177] : memref<100000x128xf32, #tpu.memory_space<hbm>> -> memref<128x128xf32, #tpu.memory_space<hbm>>
          %dma_wait3A_179 = arith.constant 0 : i32
          %dma_wait3A_180 = arith.constant 0 : i32
          %dma_wait3A_181 = tpu.memref_slice %arg4[%dma_wait3A_179, %dma_wait3A_180] : memref<100000x128xf32, #tpu.memory_space<hbm>> -> memref<128x128xf32, #tpu.memory_space<hbm>>
          %dma_wait3A_182 = arith.constant 0 : i32
          %dma_wait3A_183 = arith.constant 0 : i32
          %dma_wait3A_184 = tpu.memref_slice %arg6[%dma_wait3A_171, %dma_wait3A_182, %dma_wait3A_183] : memref<6x128x128xf32, #tpu.memory_space<vmem>> -> memref<1x128x128xf32, #tpu.memory_space<vmem>>
          %dma_wait3A_185 = tpu.memref_squeeze %dma_wait3A_184 : memref<1x128x128xf32, #tpu.memory_space<vmem>> -> memref<128x128xf32, #tpu.memory_space<vmem>>
          tpu.wait_dma2 semaphore(%arg19 : memref<!tpu.dma_semaphore, #tpu.memory_space<semaphore_mem>>) src(%dma_wait3A_185 : memref<128x128xf32, #tpu.memory_space<vmem>>) dst(%dma_wait3A_181 : memref<128x128xf32, #tpu.memory_space<hbm>>)
          %add3A_186 = arith.constant 2 : i32
          %add3A_187 = arith.addi %while3A_106, %add3A_186 : i32
          %mul3A_188 = arith.constant 128 : i32
          %mul3A_189 = arith.muli %add3A_187, %mul3A_188 : i32
          %dma_start3A_190 = arith.constant 5 : i32
          %dma_start3A_191 = arith.constant 0 : i32
          %dma_start3A_192 = arith.constant 0 : i32
          %dma_start3A_193 = tpu.memref_slice %arg6[%dma_start3A_190, %dma_start3A_191, %dma_start3A_192] : memref<6x128x128xf32, #tpu.memory_space<vmem>> -> memref<1x128x128xf32, #tpu.memory_space<vmem>>
          %dma_start3A_194 = tpu.memref_squeeze %dma_start3A_193 : memref<1x128x128xf32, #tpu.memory_space<vmem>> -> memref<128x128xf32, #tpu.memory_space<vmem>>
          %dma_start3A_195 = tpu.memref_slice %arg5[%mul3A_189] : memref<3128xi32, #tpu.memory_space<vmem>> -> memref<128xi32, #tpu.memory_space<vmem>>
          %dma_start3A_196 = arith.constant 0 : i32
          %dma_start3A_197 = arith.constant 0 : i32
          %dma_start3A_198 = tpu.memref_slice %arg7[%dma_start3A_196, %dma_start3A_197] : memref<2048x128xf32, #tpu.memory_space<vmem_shared>> -> memref<2048x128xf32, #tpu.memory_space<vmem_shared>>
          tpu.enqueue_indirect_dma source(%dma_start3A_198 : memref<2048x128xf32, #tpu.memory_space<vmem_shared>>) target(%dma_start3A_194 : memref<128x128xf32, #tpu.memory_space<vmem>>) offsets(%dma_start3A_195 : memref<128xi32, #tpu.memory_space<vmem>>) semaphore(%arg13 : memref<!tpu.dma_semaphore, #tpu.memory_space<semaphore_mem>>)
        } else {
        }
        %mul3A_144 = arith.constant 128 : i32
        %mul3A_145 = arith.muli %while3A_106, %mul3A_144 : i32
        %dma_wait3A_146 = arith.constant 3 : i32
        %dma_wait3A_147 = arith.constant 0 : i32
        %dma_wait3A_148 = arith.constant 0 : i32
        %dma_wait3A_149 = tpu.memref_slice %arg6[%dma_wait3A_146, %dma_wait3A_147, %dma_wait3A_148] : memref<6x128x128xf32, #tpu.memory_space<vmem>> -> memref<1x128x128xf32, #tpu.memory_space<vmem>>
        %dma_wait3A_150 = tpu.memref_squeeze %dma_wait3A_149 : memref<1x128x128xf32, #tpu.memory_space<vmem>> -> memref<128x128xf32, #tpu.memory_space<vmem>>
        %dma_wait3A_151 = tpu.memref_slice %arg5[%mul3A_145] : memref<3128xi32, #tpu.memory_space<vmem>> -> memref<128xi32, #tpu.memory_space<vmem>>
        %dma_wait3A_152 = arith.constant 0 : i32
        %dma_wait3A_153 = arith.constant 0 : i32
        %dma_wait3A_154 = tpu.memref_slice %arg7[%dma_wait3A_152, %dma_wait3A_153] : memref<2048x128xf32, #tpu.memory_space<vmem_shared>> -> memref<2048x128xf32, #tpu.memory_space<vmem_shared>>
        tpu.wait_indirect_dma semaphore(%arg11 : memref<!tpu.dma_semaphore, #tpu.memory_space<semaphore_mem>>) src(%dma_wait3A_154 : memref<2048x128xf32, #tpu.memory_space<vmem_shared>>) dst(%dma_wait3A_150 : memref<128x128xf32, #tpu.memory_space<vmem>>)
        %mul3A_155 = arith.constant 128 : i32
        %mul3A_156 = arith.muli %while3A_106, %mul3A_155 : i32
        %add3A_157 = arith.addi %multiple_of3A, %mul3A_156 : i32
        %dma_start3A_158 = arith.constant 3 : i32
        %dma_start3A_159 = arith.constant 0 : i32
        %dma_start3A_160 = arith.constant 0 : i32
        %dma_start3A_161 = tpu.memref_slice %arg6[%dma_start3A_158, %dma_start3A_159, %dma_start3A_160] : memref<6x128x128xf32, #tpu.memory_space<vmem>> -> memref<1x128x128xf32, #tpu.memory_space<vmem>>
        %dma_start3A_162 = tpu.memref_squeeze %dma_start3A_161 : memref<1x128x128xf32, #tpu.memory_space<vmem>> -> memref<128x128xf32, #tpu.memory_space<vmem>>
        %dma_start3A_163 = arith.constant 0 : i32
        %dma_start3A_164 = tpu.memref_slice %arg4[%add3A_157, %dma_start3A_163] : memref<100000x128xf32, #tpu.memory_space<hbm>> -> memref<128x128xf32, #tpu.memory_space<hbm>>
        %dma_start3A_165 = arith.constant 0 : i32
        %dma_start3A_166 = tpu.memref_slice %arg4[%add3A_157, %dma_start3A_165] : memref<100000x128xf32, #tpu.memory_space<hbm>> -> memref<128x128xf32, #tpu.memory_space<hbm>>
        %dma_start3A_167 = arith.constant 0 : i32
        %dma_start3A_168 = arith.constant 0 : i32
        %dma_start3A_169 = tpu.memref_slice %arg6[%dma_start3A_158, %dma_start3A_167, %dma_start3A_168] : memref<6x128x128xf32, #tpu.memory_space<vmem>> -> memref<1x128x128xf32, #tpu.memory_space<vmem>>
        %dma_start3A_170 = tpu.memref_squeeze %dma_start3A_169 : memref<1x128x128xf32, #tpu.memory_space<vmem>> -> memref<128x128xf32, #tpu.memory_space<vmem>>
        tpu.enqueue_dma source(%dma_start3A_170 : memref<128x128xf32, #tpu.memory_space<vmem>>) target(%dma_start3A_166 : memref<128x128xf32, #tpu.memory_space<hbm>>) target_semaphore(%arg17 : memref<!tpu.dma_semaphore, #tpu.memory_space<semaphore_mem>>)
      } else {
      }
      %eq3A_127 = arith.constant 4 : i32
      %eq3A_128 = arith.cmpi eq, %rem3A_107, %eq3A_127 : i32
      %convert_element_type3A_129 = arith.extui %eq3A_128 : i1 to i32
      %cond3A_130 = arith.constant 0 : i32
      %cond3A_131 = arith.cmpi ne, %convert_element_type3A_129, %cond3A_130 : i32
      scf.if %cond3A_131 {
        %ge3A = arith.constant 4 : i32
        %ge3A_137 = arith.cmpi sge, %while3A_106, %ge3A : i32
        %add3A_138 = arith.constant 2 : i32
        %add3A_139 = arith.addi %while3A_106, %add3A_138 : i32
        %lt3A_140 = arith.cmpi slt, %add3A_139, %select_n3A : i32
        %and3A = arith.andi %ge3A_137, %lt3A_140 : i1
        %convert_element_type3A_141 = arith.extui %and3A : i1 to i32
        %cond3A_142 = arith.constant 0 : i32
        %cond3A_143 = arith.cmpi ne, %convert_element_type3A_141, %cond3A_142 : i32
        scf.if %cond3A_143 {
          %dma_wait3A_171 = arith.constant 0 : i32
          %dma_wait3A_172 = arith.constant 0 : i32
          %dma_wait3A_173 = arith.constant 0 : i32
          %dma_wait3A_174 = tpu.memref_slice %arg6[%dma_wait3A_171, %dma_wait3A_172, %dma_wait3A_173] : memref<6x128x128xf32, #tpu.memory_space<vmem>> -> memref<1x128x128xf32, #tpu.memory_space<vmem>>
          %dma_wait3A_175 = tpu.memref_squeeze %dma_wait3A_174 : memref<1x128x128xf32, #tpu.memory_space<vmem>> -> memref<128x128xf32, #tpu.memory_space<vmem>>
          %dma_wait3A_176 = arith.constant 0 : i32
          %dma_wait3A_177 = arith.constant 0 : i32
          %dma_wait3A_178 = tpu.memref_slice %arg4[%dma_wait3A_176, %dma_wait3A_177] : memref<100000x128xf32, #tpu.memory_space<hbm>> -> memref<128x128xf32, #tpu.memory_space<hbm>>
          %dma_wait3A_179 = arith.constant 0 : i32
          %dma_wait3A_180 = arith.constant 0 : i32
          %dma_wait3A_181 = tpu.memref_slice %arg4[%dma_wait3A_179, %dma_wait3A_180] : memref<100000x128xf32, #tpu.memory_space<hbm>> -> memref<128x128xf32, #tpu.memory_space<hbm>>
          %dma_wait3A_182 = arith.constant 0 : i32
          %dma_wait3A_183 = arith.constant 0 : i32
          %dma_wait3A_184 = tpu.memref_slice %arg6[%dma_wait3A_171, %dma_wait3A_182, %dma_wait3A_183] : memref<6x128x128xf32, #tpu.memory_space<vmem>> -> memref<1x128x128xf32, #tpu.memory_space<vmem>>
          %dma_wait3A_185 = tpu.memref_squeeze %dma_wait3A_184 : memref<1x128x128xf32, #tpu.memory_space<vmem>> -> memref<128x128xf32, #tpu.memory_space<vmem>>
          tpu.wait_dma2 semaphore(%arg14 : memref<!tpu.dma_semaphore, #tpu.memory_space<semaphore_mem>>) src(%dma_wait3A_185 : memref<128x128xf32, #tpu.memory_space<vmem>>) dst(%dma_wait3A_181 : memref<128x128xf32, #tpu.memory_space<hbm>>)
          %add3A_186 = arith.constant 2 : i32
          %add3A_187 = arith.addi %while3A_106, %add3A_186 : i32
          %mul3A_188 = arith.constant 128 : i32
          %mul3A_189 = arith.muli %add3A_187, %mul3A_188 : i32
          %dma_start3A_190 = arith.constant 0 : i32
          %dma_start3A_191 = arith.constant 0 : i32
          %dma_start3A_192 = arith.constant 0 : i32
          %dma_start3A_193 = tpu.memref_slice %arg6[%dma_start3A_190, %dma_start3A_191, %dma_start3A_192] : memref<6x128x128xf32, #tpu.memory_space<vmem>> -> memref<1x128x128xf32, #tpu.memory_space<vmem>>
          %dma_start3A_194 = tpu.memref_squeeze %dma_start3A_193 : memref<1x128x128xf32, #tpu.memory_space<vmem>> -> memref<128x128xf32, #tpu.memory_space<vmem>>
          %dma_start3A_195 = tpu.memref_slice %arg5[%mul3A_189] : memref<3128xi32, #tpu.memory_space<vmem>> -> memref<128xi32, #tpu.memory_space<vmem>>
          %dma_start3A_196 = arith.constant 0 : i32
          %dma_start3A_197 = arith.constant 0 : i32
          %dma_start3A_198 = tpu.memref_slice %arg7[%dma_start3A_196, %dma_start3A_197] : memref<2048x128xf32, #tpu.memory_space<vmem_shared>> -> memref<2048x128xf32, #tpu.memory_space<vmem_shared>>
          tpu.enqueue_indirect_dma source(%dma_start3A_198 : memref<2048x128xf32, #tpu.memory_space<vmem_shared>>) target(%dma_start3A_194 : memref<128x128xf32, #tpu.memory_space<vmem>>) offsets(%dma_start3A_195 : memref<128xi32, #tpu.memory_space<vmem>>) semaphore(%arg8 : memref<!tpu.dma_semaphore, #tpu.memory_space<semaphore_mem>>)
        } else {
        }
        %mul3A_144 = arith.constant 128 : i32
        %mul3A_145 = arith.muli %while3A_106, %mul3A_144 : i32
        %dma_wait3A_146 = arith.constant 4 : i32
        %dma_wait3A_147 = arith.constant 0 : i32
        %dma_wait3A_148 = arith.constant 0 : i32
        %dma_wait3A_149 = tpu.memref_slice %arg6[%dma_wait3A_146, %dma_wait3A_147, %dma_wait3A_148] : memref<6x128x128xf32, #tpu.memory_space<vmem>> -> memref<1x128x128xf32, #tpu.memory_space<vmem>>
        %dma_wait3A_150 = tpu.memref_squeeze %dma_wait3A_149 : memref<1x128x128xf32, #tpu.memory_space<vmem>> -> memref<128x128xf32, #tpu.memory_space<vmem>>
        %dma_wait3A_151 = tpu.memref_slice %arg5[%mul3A_145] : memref<3128xi32, #tpu.memory_space<vmem>> -> memref<128xi32, #tpu.memory_space<vmem>>
        %dma_wait3A_152 = arith.constant 0 : i32
        %dma_wait3A_153 = arith.constant 0 : i32
        %dma_wait3A_154 = tpu.memref_slice %arg7[%dma_wait3A_152, %dma_wait3A_153] : memref<2048x128xf32, #tpu.memory_space<vmem_shared>> -> memref<2048x128xf32, #tpu.memory_space<vmem_shared>>
        tpu.wait_indirect_dma semaphore(%arg12 : memref<!tpu.dma_semaphore, #tpu.memory_space<semaphore_mem>>) src(%dma_wait3A_154 : memref<2048x128xf32, #tpu.memory_space<vmem_shared>>) dst(%dma_wait3A_150 : memref<128x128xf32, #tpu.memory_space<vmem>>)
        %mul3A_155 = arith.constant 128 : i32
        %mul3A_156 = arith.muli %while3A_106, %mul3A_155 : i32
        %add3A_157 = arith.addi %multiple_of3A, %mul3A_156 : i32
        %dma_start3A_158 = arith.constant 4 : i32
        %dma_start3A_159 = arith.constant 0 : i32
        %dma_start3A_160 = arith.constant 0 : i32
        %dma_start3A_161 = tpu.memref_slice %arg6[%dma_start3A_158, %dma_start3A_159, %dma_start3A_160] : memref<6x128x128xf32, #tpu.memory_space<vmem>> -> memref<1x128x128xf32, #tpu.memory_space<vmem>>
        %dma_start3A_162 = tpu.memref_squeeze %dma_start3A_161 : memref<1x128x128xf32, #tpu.memory_space<vmem>> -> memref<128x128xf32, #tpu.memory_space<vmem>>
        %dma_start3A_163 = arith.constant 0 : i32
        %dma_start3A_164 = tpu.memref_slice %arg4[%add3A_157, %dma_start3A_163] : memref<100000x128xf32, #tpu.memory_space<hbm>> -> memref<128x128xf32, #tpu.memory_space<hbm>>
        %dma_start3A_165 = arith.constant 0 : i32
        %dma_start3A_166 = tpu.memref_slice %arg4[%add3A_157, %dma_start3A_165] : memref<100000x128xf32, #tpu.memory_space<hbm>> -> memref<128x128xf32, #tpu.memory_space<hbm>>
        %dma_start3A_167 = arith.constant 0 : i32
        %dma_start3A_168 = arith.constant 0 : i32
        %dma_start3A_169 = tpu.memref_slice %arg6[%dma_start3A_158, %dma_start3A_167, %dma_start3A_168] : memref<6x128x128xf32, #tpu.memory_space<vmem>> -> memref<1x128x128xf32, #tpu.memory_space<vmem>>
        %dma_start3A_170 = tpu.memref_squeeze %dma_start3A_169 : memref<1x128x128xf32, #tpu.memory_space<vmem>> -> memref<128x128xf32, #tpu.memory_space<vmem>>
        tpu.enqueue_dma source(%dma_start3A_170 : memref<128x128xf32, #tpu.memory_space<vmem>>) target(%dma_start3A_166 : memref<128x128xf32, #tpu.memory_space<hbm>>) target_semaphore(%arg18 : memref<!tpu.dma_semaphore, #tpu.memory_space<semaphore_mem>>)
      } else {
      }
      %eq3A_132 = arith.constant 5 : i32
      %eq3A_133 = arith.cmpi eq, %rem3A_107, %eq3A_132 : i32
      %convert_element_type3A_134 = arith.extui %eq3A_133 : i1 to i32
      %cond3A_135 = arith.constant 0 : i32
      %cond3A_136 = arith.cmpi ne, %convert_element_type3A_134, %cond3A_135 : i32
      scf.if %cond3A_136 {
        %ge3A = arith.constant 4 : i32
        %ge3A_137 = arith.cmpi sge, %while3A_106, %ge3A : i32
        %add3A_138 = arith.constant 2 : i32
        %add3A_139 = arith.addi %while3A_106, %add3A_138 : i32
        %lt3A_140 = arith.cmpi slt, %add3A_139, %select_n3A : i32
        %and3A = arith.andi %ge3A_137, %lt3A_140 : i1
        %convert_element_type3A_141 = arith.extui %and3A : i1 to i32
        %cond3A_142 = arith.constant 0 : i32
        %cond3A_143 = arith.cmpi ne, %convert_element_type3A_141, %cond3A_142 : i32
        scf.if %cond3A_143 {
          %dma_wait3A_171 = arith.constant 1 : i32
          %dma_wait3A_172 = arith.constant 0 : i32
          %dma_wait3A_173 = arith.constant 0 : i32
          %dma_wait3A_174 = tpu.memref_slice %arg6[%dma_wait3A_171, %dma_wait3A_172, %dma_wait3A_173] : memref<6x128x128xf32, #tpu.memory_space<vmem>> -> memref<1x128x128xf32, #tpu.memory_space<vmem>>
          %dma_wait3A_175 = tpu.memref_squeeze %dma_wait3A_174 : memref<1x128x128xf32, #tpu.memory_space<vmem>> -> memref<128x128xf32, #tpu.memory_space<vmem>>
          %dma_wait3A_176 = arith.constant 0 : i32
          %dma_wait3A_177 = arith.constant 0 : i32
          %dma_wait3A_178 = tpu.memref_slice %arg4[%dma_wait3A_176, %dma_wait3A_177] : memref<100000x128xf32, #tpu.memory_space<hbm>> -> memref<128x128xf32, #tpu.memory_space<hbm>>
          %dma_wait3A_179 = arith.constant 0 : i32
          %dma_wait3A_180 = arith.constant 0 : i32
          %dma_wait3A_181 = tpu.memref_slice %arg4[%dma_wait3A_179, %dma_wait3A_180] : memref<100000x128xf32, #tpu.memory_space<hbm>> -> memref<128x128xf32, #tpu.memory_space<hbm>>
          %dma_wait3A_182 = arith.constant 0 : i32
          %dma_wait3A_183 = arith.constant 0 : i32
          %dma_wait3A_184 = tpu.memref_slice %arg6[%dma_wait3A_171, %dma_wait3A_182, %dma_wait3A_183] : memref<6x128x128xf32, #tpu.memory_space<vmem>> -> memref<1x128x128xf32, #tpu.memory_space<vmem>>
          %dma_wait3A_185 = tpu.memref_squeeze %dma_wait3A_184 : memref<1x128x128xf32, #tpu.memory_space<vmem>> -> memref<128x128xf32, #tpu.memory_space<vmem>>
          tpu.wait_dma2 semaphore(%arg15 : memref<!tpu.dma_semaphore, #tpu.memory_space<semaphore_mem>>) src(%dma_wait3A_185 : memref<128x128xf32, #tpu.memory_space<vmem>>) dst(%dma_wait3A_181 : memref<128x128xf32, #tpu.memory_space<hbm>>)
          %add3A_186 = arith.constant 2 : i32
          %add3A_187 = arith.addi %while3A_106, %add3A_186 : i32
          %mul3A_188 = arith.constant 128 : i32
          %mul3A_189 = arith.muli %add3A_187, %mul3A_188 : i32
          %dma_start3A_190 = arith.constant 1 : i32
          %dma_start3A_191 = arith.constant 0 : i32
          %dma_start3A_192 = arith.constant 0 : i32
          %dma_start3A_193 = tpu.memref_slice %arg6[%dma_start3A_190, %dma_start3A_191, %dma_start3A_192] : memref<6x128x128xf32, #tpu.memory_space<vmem>> -> memref<1x128x128xf32, #tpu.memory_space<vmem>>
          %dma_start3A_194 = tpu.memref_squeeze %dma_start3A_193 : memref<1x128x128xf32, #tpu.memory_space<vmem>> -> memref<128x128xf32, #tpu.memory_space<vmem>>
          %dma_start3A_195 = tpu.memref_slice %arg5[%mul3A_189] : memref<3128xi32, #tpu.memory_space<vmem>> -> memref<128xi32, #tpu.memory_space<vmem>>
          %dma_start3A_196 = arith.constant 0 : i32
          %dma_start3A_197 = arith.constant 0 : i32
          %dma_start3A_198 = tpu.memref_slice %arg7[%dma_start3A_196, %dma_start3A_197] : memref<2048x128xf32, #tpu.memory_space<vmem_shared>> -> memref<2048x128xf32, #tpu.memory_space<vmem_shared>>
          tpu.enqueue_indirect_dma source(%dma_start3A_198 : memref<2048x128xf32, #tpu.memory_space<vmem_shared>>) target(%dma_start3A_194 : memref<128x128xf32, #tpu.memory_space<vmem>>) offsets(%dma_start3A_195 : memref<128xi32, #tpu.memory_space<vmem>>) semaphore(%arg9 : memref<!tpu.dma_semaphore, #tpu.memory_space<semaphore_mem>>)
        } else {
        }
        %mul3A_144 = arith.constant 128 : i32
        %mul3A_145 = arith.muli %while3A_106, %mul3A_144 : i32
        %dma_wait3A_146 = arith.constant 5 : i32
        %dma_wait3A_147 = arith.constant 0 : i32
        %dma_wait3A_148 = arith.constant 0 : i32
        %dma_wait3A_149 = tpu.memref_slice %arg6[%dma_wait3A_146, %dma_wait3A_147, %dma_wait3A_148] : memref<6x128x128xf32, #tpu.memory_space<vmem>> -> memref<1x128x128xf32, #tpu.memory_space<vmem>>
        %dma_wait3A_150 = tpu.memref_squeeze %dma_wait3A_149 : memref<1x128x128xf32, #tpu.memory_space<vmem>> -> memref<128x128xf32, #tpu.memory_space<vmem>>
        %dma_wait3A_151 = tpu.memref_slice %arg5[%mul3A_145] : memref<3128xi32, #tpu.memory_space<vmem>> -> memref<128xi32, #tpu.memory_space<vmem>>
        %dma_wait3A_152 = arith.constant 0 : i32
        %dma_wait3A_153 = arith.constant 0 : i32
        %dma_wait3A_154 = tpu.memref_slice %arg7[%dma_wait3A_152, %dma_wait3A_153] : memref<2048x128xf32, #tpu.memory_space<vmem_shared>> -> memref<2048x128xf32, #tpu.memory_space<vmem_shared>>
        tpu.wait_indirect_dma semaphore(%arg13 : memref<!tpu.dma_semaphore, #tpu.memory_space<semaphore_mem>>) src(%dma_wait3A_154 : memref<2048x128xf32, #tpu.memory_space<vmem_shared>>) dst(%dma_wait3A_150 : memref<128x128xf32, #tpu.memory_space<vmem>>)
        %mul3A_155 = arith.constant 128 : i32
        %mul3A_156 = arith.muli %while3A_106, %mul3A_155 : i32
        %add3A_157 = arith.addi %multiple_of3A, %mul3A_156 : i32
        %dma_start3A_158 = arith.constant 5 : i32
        %dma_start3A_159 = arith.constant 0 : i32
        %dma_start3A_160 = arith.constant 0 : i32
        %dma_start3A_161 = tpu.memref_slice %arg6[%dma_start3A_158, %dma_start3A_159, %dma_start3A_160] : memref<6x128x128xf32, #tpu.memory_space<vmem>> -> memref<1x128x128xf32, #tpu.memory_space<vmem>>
        %dma_start3A_162 = tpu.memref_squeeze %dma_start3A_161 : memref<1x128x128xf32, #tpu.memory_space<vmem>> -> memref<128x128xf32, #tpu.memory_space<vmem>>
        %dma_start3A_163 = arith.constant 0 : i32
        %dma_start3A_164 = tpu.memref_slice %arg4[%add3A_157, %dma_start3A_163] : memref<100000x128xf32, #tpu.memory_space<hbm>> -> memref<128x128xf32, #tpu.memory_space<hbm>>
        %dma_start3A_165 = arith.constant 0 : i32
        %dma_start3A_166 = tpu.memref_slice %arg4[%add3A_157, %dma_start3A_165] : memref<100000x128xf32, #tpu.memory_space<hbm>> -> memref<128x128xf32, #tpu.memory_space<hbm>>
        %dma_start3A_167 = arith.constant 0 : i32
        %dma_start3A_168 = arith.constant 0 : i32
        %dma_start3A_169 = tpu.memref_slice %arg6[%dma_start3A_158, %dma_start3A_167, %dma_start3A_168] : memref<6x128x128xf32, #tpu.memory_space<vmem>> -> memref<1x128x128xf32, #tpu.memory_space<vmem>>
        %dma_start3A_170 = tpu.memref_squeeze %dma_start3A_169 : memref<1x128x128xf32, #tpu.memory_space<vmem>> -> memref<128x128xf32, #tpu.memory_space<vmem>>
        tpu.enqueue_dma source(%dma_start3A_170 : memref<128x128xf32, #tpu.memory_space<vmem>>) target(%dma_start3A_166 : memref<128x128xf32, #tpu.memory_space<hbm>>) target_semaphore(%arg19 : memref<!tpu.dma_semaphore, #tpu.memory_space<semaphore_mem>>)
      } else {
      }
    }
    %while3A_97 = arith.constant 1 : i32
    scf.for %while3A_106 = %while3A_95 to %while3A_91 step %while3A_97  : i32 {
      %rem3A = arith.constant 6 : i32
      %rem3A_107 = arith.remsi %while3A_106, %rem3A : i32
      %eq3A = arith.constant 0 : i32
      %eq3A_108 = arith.cmpi eq, %rem3A_107, %eq3A : i32
      %convert_element_type3A_109 = arith.extui %eq3A_108 : i1 to i32
      %cond3A_110 = arith.constant 0 : i32
      %cond3A_111 = arith.cmpi ne, %convert_element_type3A_109, %cond3A_110 : i32
      scf.if %cond3A_111 {
        %ge3A = arith.constant 4 : i32
        %ge3A_137 = arith.cmpi sge, %while3A_106, %ge3A : i32
        %add3A_138 = arith.constant 2 : i32
        %add3A_139 = arith.addi %while3A_106, %add3A_138 : i32
        %lt3A_140 = arith.cmpi slt, %add3A_139, %select_n3A : i32
        %and3A = arith.andi %ge3A_137, %lt3A_140 : i1
        %convert_element_type3A_141 = arith.extui %and3A : i1 to i32
        %cond3A_142 = arith.constant 0 : i32
        %cond3A_143 = arith.cmpi ne, %convert_element_type3A_141, %cond3A_142 : i32
        scf.if %cond3A_143 {
          %dma_wait3A_171 = arith.constant 2 : i32
          %dma_wait3A_172 = arith.constant 0 : i32
          %dma_wait3A_173 = arith.constant 0 : i32
          %dma_wait3A_174 = tpu.memref_slice %arg6[%dma_wait3A_171, %dma_wait3A_172, %dma_wait3A_173] : memref<6x128x128xf32, #tpu.memory_space<vmem>> -> memref<1x128x128xf32, #tpu.memory_space<vmem>>
          %dma_wait3A_175 = tpu.memref_squeeze %dma_wait3A_174 : memref<1x128x128xf32, #tpu.memory_space<vmem>> -> memref<128x128xf32, #tpu.memory_space<vmem>>
          %dma_wait3A_176 = arith.constant 0 : i32
          %dma_wait3A_177 = arith.constant 0 : i32
          %dma_wait3A_178 = tpu.memref_slice %arg4[%dma_wait3A_176, %dma_wait3A_177] : memref<100000x128xf32, #tpu.memory_space<hbm>> -> memref<128x128xf32, #tpu.memory_space<hbm>>
          %dma_wait3A_179 = arith.constant 0 : i32
          %dma_wait3A_180 = arith.constant 0 : i32
          %dma_wait3A_181 = tpu.memref_slice %arg4[%dma_wait3A_179, %dma_wait3A_180] : memref<100000x128xf32, #tpu.memory_space<hbm>> -> memref<128x128xf32, #tpu.memory_space<hbm>>
          %dma_wait3A_182 = arith.constant 0 : i32
          %dma_wait3A_183 = arith.constant 0 : i32
          %dma_wait3A_184 = tpu.memref_slice %arg6[%dma_wait3A_171, %dma_wait3A_182, %dma_wait3A_183] : memref<6x128x128xf32, #tpu.memory_space<vmem>> -> memref<1x128x128xf32, #tpu.memory_space<vmem>>
          %dma_wait3A_185 = tpu.memref_squeeze %dma_wait3A_184 : memref<1x128x128xf32, #tpu.memory_space<vmem>> -> memref<128x128xf32, #tpu.memory_space<vmem>>
          tpu.wait_dma2 semaphore(%arg16 : memref<!tpu.dma_semaphore, #tpu.memory_space<semaphore_mem>>) src(%dma_wait3A_185 : memref<128x128xf32, #tpu.memory_space<vmem>>) dst(%dma_wait3A_181 : memref<128x128xf32, #tpu.memory_space<hbm>>)
          %add3A_186 = arith.constant 2 : i32
          %add3A_187 = arith.addi %while3A_106, %add3A_186 : i32
          %mul3A_188 = arith.constant 128 : i32
          %mul3A_189 = arith.muli %add3A_187, %mul3A_188 : i32
          %dma_start3A_190 = arith.constant 2 : i32
          %dma_start3A_191 = arith.constant 0 : i32
          %dma_start3A_192 = arith.constant 0 : i32
          %dma_start3A_193 = tpu.memref_slice %arg6[%dma_start3A_190, %dma_start3A_191, %dma_start3A_192] : memref<6x128x128xf32, #tpu.memory_space<vmem>> -> memref<1x128x128xf32, #tpu.memory_space<vmem>>
          %dma_start3A_194 = tpu.memref_squeeze %dma_start3A_193 : memref<1x128x128xf32, #tpu.memory_space<vmem>> -> memref<128x128xf32, #tpu.memory_space<vmem>>
          %dma_start3A_195 = tpu.memref_slice %arg5[%mul3A_189] : memref<3128xi32, #tpu.memory_space<vmem>> -> memref<128xi32, #tpu.memory_space<vmem>>
          %dma_start3A_196 = arith.constant 0 : i32
          %dma_start3A_197 = arith.constant 0 : i32
          %dma_start3A_198 = tpu.memref_slice %arg7[%dma_start3A_196, %dma_start3A_197] : memref<2048x128xf32, #tpu.memory_space<vmem_shared>> -> memref<2048x128xf32, #tpu.memory_space<vmem_shared>>
          tpu.enqueue_indirect_dma source(%dma_start3A_198 : memref<2048x128xf32, #tpu.memory_space<vmem_shared>>) target(%dma_start3A_194 : memref<128x128xf32, #tpu.memory_space<vmem>>) offsets(%dma_start3A_195 : memref<128xi32, #tpu.memory_space<vmem>>) semaphore(%arg10 : memref<!tpu.dma_semaphore, #tpu.memory_space<semaphore_mem>>)
        } else {
        }
        %mul3A_144 = arith.constant 128 : i32
        %mul3A_145 = arith.muli %while3A_106, %mul3A_144 : i32
        %dma_wait3A_146 = arith.constant 0 : i32
        %dma_wait3A_147 = arith.constant 0 : i32
        %dma_wait3A_148 = arith.constant 0 : i32
        %dma_wait3A_149 = tpu.memref_slice %arg6[%dma_wait3A_146, %dma_wait3A_147, %dma_wait3A_148] : memref<6x128x128xf32, #tpu.memory_space<vmem>> -> memref<1x128x128xf32, #tpu.memory_space<vmem>>
        %dma_wait3A_150 = tpu.memref_squeeze %dma_wait3A_149 : memref<1x128x128xf32, #tpu.memory_space<vmem>> -> memref<128x128xf32, #tpu.memory_space<vmem>>
        %dma_wait3A_151 = tpu.memref_slice %arg5[%mul3A_145] : memref<3128xi32, #tpu.memory_space<vmem>> -> memref<128xi32, #tpu.memory_space<vmem>>
        %dma_wait3A_152 = arith.constant 0 : i32
        %dma_wait3A_153 = arith.constant 0 : i32
        %dma_wait3A_154 = tpu.memref_slice %arg7[%dma_wait3A_152, %dma_wait3A_153] : memref<2048x128xf32, #tpu.memory_space<vmem_shared>> -> memref<2048x128xf32, #tpu.memory_space<vmem_shared>>
        tpu.wait_indirect_dma semaphore(%arg8 : memref<!tpu.dma_semaphore, #tpu.memory_space<semaphore_mem>>) src(%dma_wait3A_154 : memref<2048x128xf32, #tpu.memory_space<vmem_shared>>) dst(%dma_wait3A_150 : memref<128x128xf32, #tpu.memory_space<vmem>>)
        %mul3A_155 = arith.constant 128 : i32
        %mul3A_156 = arith.muli %while3A_106, %mul3A_155 : i32
        %add3A_157 = arith.addi %multiple_of3A, %mul3A_156 : i32
        %dma_start3A_158 = arith.constant 0 : i32
        %dma_start3A_159 = arith.constant 0 : i32
        %dma_start3A_160 = arith.constant 0 : i32
        %dma_start3A_161 = tpu.memref_slice %arg6[%dma_start3A_158, %dma_start3A_159, %dma_start3A_160] : memref<6x128x128xf32, #tpu.memory_space<vmem>> -> memref<1x128x128xf32, #tpu.memory_space<vmem>>
        %dma_start3A_162 = tpu.memref_squeeze %dma_start3A_161 : memref<1x128x128xf32, #tpu.memory_space<vmem>> -> memref<128x128xf32, #tpu.memory_space<vmem>>
        %dma_start3A_163 = arith.constant 0 : i32
        %dma_start3A_164 = tpu.memref_slice %arg4[%add3A_157, %dma_start3A_163] : memref<100000x128xf32, #tpu.memory_space<hbm>> -> memref<128x128xf32, #tpu.memory_space<hbm>>
        %dma_start3A_165 = arith.constant 0 : i32
        %dma_start3A_166 = tpu.memref_slice %arg4[%add3A_157, %dma_start3A_165] : memref<100000x128xf32, #tpu.memory_space<hbm>> -> memref<128x128xf32, #tpu.memory_space<hbm>>
        %dma_start3A_167 = arith.constant 0 : i32
        %dma_start3A_168 = arith.constant 0 : i32
        %dma_start3A_169 = tpu.memref_slice %arg6[%dma_start3A_158, %dma_start3A_167, %dma_start3A_168] : memref<6x128x128xf32, #tpu.memory_space<vmem>> -> memref<1x128x128xf32, #tpu.memory_space<vmem>>
        %dma_start3A_170 = tpu.memref_squeeze %dma_start3A_169 : memref<1x128x128xf32, #tpu.memory_space<vmem>> -> memref<128x128xf32, #tpu.memory_space<vmem>>
        tpu.enqueue_dma source(%dma_start3A_170 : memref<128x128xf32, #tpu.memory_space<vmem>>) target(%dma_start3A_166 : memref<128x128xf32, #tpu.memory_space<hbm>>) target_semaphore(%arg14 : memref<!tpu.dma_semaphore, #tpu.memory_space<semaphore_mem>>)
      } else {
      }
      %eq3A_112 = arith.constant 1 : i32
      %eq3A_113 = arith.cmpi eq, %rem3A_107, %eq3A_112 : i32
      %convert_element_type3A_114 = arith.extui %eq3A_113 : i1 to i32
      %cond3A_115 = arith.constant 0 : i32
      %cond3A_116 = arith.cmpi ne, %convert_element_type3A_114, %cond3A_115 : i32
      scf.if %cond3A_116 {
        %ge3A = arith.constant 4 : i32
        %ge3A_137 = arith.cmpi sge, %while3A_106, %ge3A : i32
        %add3A_138 = arith.constant 2 : i32
        %add3A_139 = arith.addi %while3A_106, %add3A_138 : i32
        %lt3A_140 = arith.cmpi slt, %add3A_139, %select_n3A : i32
        %and3A = arith.andi %ge3A_137, %lt3A_140 : i1
        %convert_element_type3A_141 = arith.extui %and3A : i1 to i32
        %cond3A_142 = arith.constant 0 : i32
        %cond3A_143 = arith.cmpi ne, %convert_element_type3A_141, %cond3A_142 : i32
        scf.if %cond3A_143 {
          %dma_wait3A_171 = arith.constant 3 : i32
          %dma_wait3A_172 = arith.constant 0 : i32
          %dma_wait3A_173 = arith.constant 0 : i32
          %dma_wait3A_174 = tpu.memref_slice %arg6[%dma_wait3A_171, %dma_wait3A_172, %dma_wait3A_173] : memref<6x128x128xf32, #tpu.memory_space<vmem>> -> memref<1x128x128xf32, #tpu.memory_space<vmem>>
          %dma_wait3A_175 = tpu.memref_squeeze %dma_wait3A_174 : memref<1x128x128xf32, #tpu.memory_space<vmem>> -> memref<128x128xf32, #tpu.memory_space<vmem>>
          %dma_wait3A_176 = arith.constant 0 : i32
          %dma_wait3A_177 = arith.constant 0 : i32
          %dma_wait3A_178 = tpu.memref_slice %arg4[%dma_wait3A_176, %dma_wait3A_177] : memref<100000x128xf32, #tpu.memory_space<hbm>> -> memref<128x128xf32, #tpu.memory_space<hbm>>
          %dma_wait3A_179 = arith.constant 0 : i32
          %dma_wait3A_180 = arith.constant 0 : i32
          %dma_wait3A_181 = tpu.memref_slice %arg4[%dma_wait3A_179, %dma_wait3A_180] : memref<100000x128xf32, #tpu.memory_space<hbm>> -> memref<128x128xf32, #tpu.memory_space<hbm>>
          %dma_wait3A_182 = arith.constant 0 : i32
          %dma_wait3A_183 = arith.constant 0 : i32
          %dma_wait3A_184 = tpu.memref_slice %arg6[%dma_wait3A_171, %dma_wait3A_182, %dma_wait3A_183] : memref<6x128x128xf32, #tpu.memory_space<vmem>> -> memref<1x128x128xf32, #tpu.memory_space<vmem>>
          %dma_wait3A_185 = tpu.memref_squeeze %dma_wait3A_184 : memref<1x128x128xf32, #tpu.memory_space<vmem>> -> memref<128x128xf32, #tpu.memory_space<vmem>>
          tpu.wait_dma2 semaphore(%arg17 : memref<!tpu.dma_semaphore, #tpu.memory_space<semaphore_mem>>) src(%dma_wait3A_185 : memref<128x128xf32, #tpu.memory_space<vmem>>) dst(%dma_wait3A_181 : memref<128x128xf32, #tpu.memory_space<hbm>>)
          %add3A_186 = arith.constant 2 : i32
          %add3A_187 = arith.addi %while3A_106, %add3A_186 : i32
          %mul3A_188 = arith.constant 128 : i32
          %mul3A_189 = arith.muli %add3A_187, %mul3A_188 : i32
          %dma_start3A_190 = arith.constant 3 : i32
          %dma_start3A_191 = arith.constant 0 : i32
          %dma_start3A_192 = arith.constant 0 : i32
          %dma_start3A_193 = tpu.memref_slice %arg6[%dma_start3A_190, %dma_start3A_191, %dma_start3A_192] : memref<6x128x128xf32, #tpu.memory_space<vmem>> -> memref<1x128x128xf32, #tpu.memory_space<vmem>>
          %dma_start3A_194 = tpu.memref_squeeze %dma_start3A_193 : memref<1x128x128xf32, #tpu.memory_space<vmem>> -> memref<128x128xf32, #tpu.memory_space<vmem>>
          %dma_start3A_195 = tpu.memref_slice %arg5[%mul3A_189] : memref<3128xi32, #tpu.memory_space<vmem>> -> memref<128xi32, #tpu.memory_space<vmem>>
          %dma_start3A_196 = arith.constant 0 : i32
          %dma_start3A_197 = arith.constant 0 : i32
          %dma_start3A_198 = tpu.memref_slice %arg7[%dma_start3A_196, %dma_start3A_197] : memref<2048x128xf32, #tpu.memory_space<vmem_shared>> -> memref<2048x128xf32, #tpu.memory_space<vmem_shared>>
          tpu.enqueue_indirect_dma source(%dma_start3A_198 : memref<2048x128xf32, #tpu.memory_space<vmem_shared>>) target(%dma_start3A_194 : memref<128x128xf32, #tpu.memory_space<vmem>>) offsets(%dma_start3A_195 : memref<128xi32, #tpu.memory_space<vmem>>) semaphore(%arg11 : memref<!tpu.dma_semaphore, #tpu.memory_space<semaphore_mem>>)
        } else {
        }
        %mul3A_144 = arith.constant 128 : i32
        %mul3A_145 = arith.muli %while3A_106, %mul3A_144 : i32
        %dma_wait3A_146 = arith.constant 1 : i32
        %dma_wait3A_147 = arith.constant 0 : i32
        %dma_wait3A_148 = arith.constant 0 : i32
        %dma_wait3A_149 = tpu.memref_slice %arg6[%dma_wait3A_146, %dma_wait3A_147, %dma_wait3A_148] : memref<6x128x128xf32, #tpu.memory_space<vmem>> -> memref<1x128x128xf32, #tpu.memory_space<vmem>>
        %dma_wait3A_150 = tpu.memref_squeeze %dma_wait3A_149 : memref<1x128x128xf32, #tpu.memory_space<vmem>> -> memref<128x128xf32, #tpu.memory_space<vmem>>
        %dma_wait3A_151 = tpu.memref_slice %arg5[%mul3A_145] : memref<3128xi32, #tpu.memory_space<vmem>> -> memref<128xi32, #tpu.memory_space<vmem>>
        %dma_wait3A_152 = arith.constant 0 : i32
        %dma_wait3A_153 = arith.constant 0 : i32
        %dma_wait3A_154 = tpu.memref_slice %arg7[%dma_wait3A_152, %dma_wait3A_153] : memref<2048x128xf32, #tpu.memory_space<vmem_shared>> -> memref<2048x128xf32, #tpu.memory_space<vmem_shared>>
        tpu.wait_indirect_dma semaphore(%arg9 : memref<!tpu.dma_semaphore, #tpu.memory_space<semaphore_mem>>) src(%dma_wait3A_154 : memref<2048x128xf32, #tpu.memory_space<vmem_shared>>) dst(%dma_wait3A_150 : memref<128x128xf32, #tpu.memory_space<vmem>>)
        %mul3A_155 = arith.constant 128 : i32
        %mul3A_156 = arith.muli %while3A_106, %mul3A_155 : i32
        %add3A_157 = arith.addi %multiple_of3A, %mul3A_156 : i32
        %dma_start3A_158 = arith.constant 1 : i32
        %dma_start3A_159 = arith.constant 0 : i32
        %dma_start3A_160 = arith.constant 0 : i32
        %dma_start3A_161 = tpu.memref_slice %arg6[%dma_start3A_158, %dma_start3A_159, %dma_start3A_160] : memref<6x128x128xf32, #tpu.memory_space<vmem>> -> memref<1x128x128xf32, #tpu.memory_space<vmem>>
        %dma_start3A_162 = tpu.memref_squeeze %dma_start3A_161 : memref<1x128x128xf32, #tpu.memory_space<vmem>> -> memref<128x128xf32, #tpu.memory_space<vmem>>
        %dma_start3A_163 = arith.constant 0 : i32
        %dma_start3A_164 = tpu.memref_slice %arg4[%add3A_157, %dma_start3A_163] : memref<100000x128xf32, #tpu.memory_space<hbm>> -> memref<128x128xf32, #tpu.memory_space<hbm>>
        %dma_start3A_165 = arith.constant 0 : i32
        %dma_start3A_166 = tpu.memref_slice %arg4[%add3A_157, %dma_start3A_165] : memref<100000x128xf32, #tpu.memory_space<hbm>> -> memref<128x128xf32, #tpu.memory_space<hbm>>
        %dma_start3A_167 = arith.constant 0 : i32
        %dma_start3A_168 = arith.constant 0 : i32
        %dma_start3A_169 = tpu.memref_slice %arg6[%dma_start3A_158, %dma_start3A_167, %dma_start3A_168] : memref<6x128x128xf32, #tpu.memory_space<vmem>> -> memref<1x128x128xf32, #tpu.memory_space<vmem>>
        %dma_start3A_170 = tpu.memref_squeeze %dma_start3A_169 : memref<1x128x128xf32, #tpu.memory_space<vmem>> -> memref<128x128xf32, #tpu.memory_space<vmem>>
        tpu.enqueue_dma source(%dma_start3A_170 : memref<128x128xf32, #tpu.memory_space<vmem>>) target(%dma_start3A_166 : memref<128x128xf32, #tpu.memory_space<hbm>>) target_semaphore(%arg15 : memref<!tpu.dma_semaphore, #tpu.memory_space<semaphore_mem>>)
      } else {
      }
      %eq3A_117 = arith.constant 2 : i32
      %eq3A_118 = arith.cmpi eq, %rem3A_107, %eq3A_117 : i32
      %convert_element_type3A_119 = arith.extui %eq3A_118 : i1 to i32
      %cond3A_120 = arith.constant 0 : i32
      %cond3A_121 = arith.cmpi ne, %convert_element_type3A_119, %cond3A_120 : i32
      scf.if %cond3A_121 {
        %ge3A = arith.constant 4 : i32
        %ge3A_137 = arith.cmpi sge, %while3A_106, %ge3A : i32
        %add3A_138 = arith.constant 2 : i32
        %add3A_139 = arith.addi %while3A_106, %add3A_138 : i32
        %lt3A_140 = arith.cmpi slt, %add3A_139, %select_n3A : i32
        %and3A = arith.andi %ge3A_137, %lt3A_140 : i1
        %convert_element_type3A_141 = arith.extui %and3A : i1 to i32
        %cond3A_142 = arith.constant 0 : i32
        %cond3A_143 = arith.cmpi ne, %convert_element_type3A_141, %cond3A_142 : i32
        scf.if %cond3A_143 {
          %dma_wait3A_171 = arith.constant 4 : i32
          %dma_wait3A_172 = arith.constant 0 : i32
          %dma_wait3A_173 = arith.constant 0 : i32
          %dma_wait3A_174 = tpu.memref_slice %arg6[%dma_wait3A_171, %dma_wait3A_172, %dma_wait3A_173] : memref<6x128x128xf32, #tpu.memory_space<vmem>> -> memref<1x128x128xf32, #tpu.memory_space<vmem>>
          %dma_wait3A_175 = tpu.memref_squeeze %dma_wait3A_174 : memref<1x128x128xf32, #tpu.memory_space<vmem>> -> memref<128x128xf32, #tpu.memory_space<vmem>>
          %dma_wait3A_176 = arith.constant 0 : i32
          %dma_wait3A_177 = arith.constant 0 : i32
          %dma_wait3A_178 = tpu.memref_slice %arg4[%dma_wait3A_176, %dma_wait3A_177] : memref<100000x128xf32, #tpu.memory_space<hbm>> -> memref<128x128xf32, #tpu.memory_space<hbm>>
          %dma_wait3A_179 = arith.constant 0 : i32
          %dma_wait3A_180 = arith.constant 0 : i32
          %dma_wait3A_181 = tpu.memref_slice %arg4[%dma_wait3A_179, %dma_wait3A_180] : memref<100000x128xf32, #tpu.memory_space<hbm>> -> memref<128x128xf32, #tpu.memory_space<hbm>>
          %dma_wait3A_182 = arith.constant 0 : i32
          %dma_wait3A_183 = arith.constant 0 : i32
          %dma_wait3A_184 = tpu.memref_slice %arg6[%dma_wait3A_171, %dma_wait3A_182, %dma_wait3A_183] : memref<6x128x128xf32, #tpu.memory_space<vmem>> -> memref<1x128x128xf32, #tpu.memory_space<vmem>>
          %dma_wait3A_185 = tpu.memref_squeeze %dma_wait3A_184 : memref<1x128x128xf32, #tpu.memory_space<vmem>> -> memref<128x128xf32, #tpu.memory_space<vmem>>
          tpu.wait_dma2 semaphore(%arg18 : memref<!tpu.dma_semaphore, #tpu.memory_space<semaphore_mem>>) src(%dma_wait3A_185 : memref<128x128xf32, #tpu.memory_space<vmem>>) dst(%dma_wait3A_181 : memref<128x128xf32, #tpu.memory_space<hbm>>)
          %add3A_186 = arith.constant 2 : i32
          %add3A_187 = arith.addi %while3A_106, %add3A_186 : i32
          %mul3A_188 = arith.constant 128 : i32
          %mul3A_189 = arith.muli %add3A_187, %mul3A_188 : i32
          %dma_start3A_190 = arith.constant 4 : i32
          %dma_start3A_191 = arith.constant 0 : i32
          %dma_start3A_192 = arith.constant 0 : i32
          %dma_start3A_193 = tpu.memref_slice %arg6[%dma_start3A_190, %dma_start3A_191, %dma_start3A_192] : memref<6x128x128xf32, #tpu.memory_space<vmem>> -> memref<1x128x128xf32, #tpu.memory_space<vmem>>
          %dma_start3A_194 = tpu.memref_squeeze %dma_start3A_193 : memref<1x128x128xf32, #tpu.memory_space<vmem>> -> memref<128x128xf32, #tpu.memory_space<vmem>>
          %dma_start3A_195 = tpu.memref_slice %arg5[%mul3A_189] : memref<3128xi32, #tpu.memory_space<vmem>> -> memref<128xi32, #tpu.memory_space<vmem>>
          %dma_start3A_196 = arith.constant 0 : i32
          %dma_start3A_197 = arith.constant 0 : i32
          %dma_start3A_198 = tpu.memref_slice %arg7[%dma_start3A_196, %dma_start3A_197] : memref<2048x128xf32, #tpu.memory_space<vmem_shared>> -> memref<2048x128xf32, #tpu.memory_space<vmem_shared>>
          tpu.enqueue_indirect_dma source(%dma_start3A_198 : memref<2048x128xf32, #tpu.memory_space<vmem_shared>>) target(%dma_start3A_194 : memref<128x128xf32, #tpu.memory_space<vmem>>) offsets(%dma_start3A_195 : memref<128xi32, #tpu.memory_space<vmem>>) semaphore(%arg12 : memref<!tpu.dma_semaphore, #tpu.memory_space<semaphore_mem>>)
        } else {
        }
        %mul3A_144 = arith.constant 128 : i32
        %mul3A_145 = arith.muli %while3A_106, %mul3A_144 : i32
        %dma_wait3A_146 = arith.constant 2 : i32
        %dma_wait3A_147 = arith.constant 0 : i32
        %dma_wait3A_148 = arith.constant 0 : i32
        %dma_wait3A_149 = tpu.memref_slice %arg6[%dma_wait3A_146, %dma_wait3A_147, %dma_wait3A_148] : memref<6x128x128xf32, #tpu.memory_space<vmem>> -> memref<1x128x128xf32, #tpu.memory_space<vmem>>
        %dma_wait3A_150 = tpu.memref_squeeze %dma_wait3A_149 : memref<1x128x128xf32, #tpu.memory_space<vmem>> -> memref<128x128xf32, #tpu.memory_space<vmem>>
        %dma_wait3A_151 = tpu.memref_slice %arg5[%mul3A_145] : memref<3128xi32, #tpu.memory_space<vmem>> -> memref<128xi32, #tpu.memory_space<vmem>>
        %dma_wait3A_152 = arith.constant 0 : i32
        %dma_wait3A_153 = arith.constant 0 : i32
        %dma_wait3A_154 = tpu.memref_slice %arg7[%dma_wait3A_152, %dma_wait3A_153] : memref<2048x128xf32, #tpu.memory_space<vmem_shared>> -> memref<2048x128xf32, #tpu.memory_space<vmem_shared>>
        tpu.wait_indirect_dma semaphore(%arg10 : memref<!tpu.dma_semaphore, #tpu.memory_space<semaphore_mem>>) src(%dma_wait3A_154 : memref<2048x128xf32, #tpu.memory_space<vmem_shared>>) dst(%dma_wait3A_150 : memref<128x128xf32, #tpu.memory_space<vmem>>)
        %mul3A_155 = arith.constant 128 : i32
        %mul3A_156 = arith.muli %while3A_106, %mul3A_155 : i32
        %add3A_157 = arith.addi %multiple_of3A, %mul3A_156 : i32
        %dma_start3A_158 = arith.constant 2 : i32
        %dma_start3A_159 = arith.constant 0 : i32
        %dma_start3A_160 = arith.constant 0 : i32
        %dma_start3A_161 = tpu.memref_slice %arg6[%dma_start3A_158, %dma_start3A_159, %dma_start3A_160] : memref<6x128x128xf32, #tpu.memory_space<vmem>> -> memref<1x128x128xf32, #tpu.memory_space<vmem>>
        %dma_start3A_162 = tpu.memref_squeeze %dma_start3A_161 : memref<1x128x128xf32, #tpu.memory_space<vmem>> -> memref<128x128xf32, #tpu.memory_space<vmem>>
        %dma_start3A_163 = arith.constant 0 : i32
        %dma_start3A_164 = tpu.memref_slice %arg4[%add3A_157, %dma_start3A_163] : memref<100000x128xf32, #tpu.memory_space<hbm>> -> memref<128x128xf32, #tpu.memory_space<hbm>>
        %dma_start3A_165 = arith.constant 0 : i32
        %dma_start3A_166 = tpu.memref_slice %arg4[%add3A_157, %dma_start3A_165] : memref<100000x128xf32, #tpu.memory_space<hbm>> -> memref<128x128xf32, #tpu.memory_space<hbm>>
        %dma_start3A_167 = arith.constant 0 : i32
        %dma_start3A_168 = arith.constant 0 : i32
        %dma_start3A_169 = tpu.memref_slice %arg6[%dma_start3A_158, %dma_start3A_167, %dma_start3A_168] : memref<6x128x128xf32, #tpu.memory_space<vmem>> -> memref<1x128x128xf32, #tpu.memory_space<vmem>>
        %dma_start3A_170 = tpu.memref_squeeze %dma_start3A_169 : memref<1x128x128xf32, #tpu.memory_space<vmem>> -> memref<128x128xf32, #tpu.memory_space<vmem>>
        tpu.enqueue_dma source(%dma_start3A_170 : memref<128x128xf32, #tpu.memory_space<vmem>>) target(%dma_start3A_166 : memref<128x128xf32, #tpu.memory_space<hbm>>) target_semaphore(%arg16 : memref<!tpu.dma_semaphore, #tpu.memory_space<semaphore_mem>>)
      } else {
      }
      %eq3A_122 = arith.constant 3 : i32
      %eq3A_123 = arith.cmpi eq, %rem3A_107, %eq3A_122 : i32
      %convert_element_type3A_124 = arith.extui %eq3A_123 : i1 to i32
      %cond3A_125 = arith.constant 0 : i32
      %cond3A_126 = arith.cmpi ne, %convert_element_type3A_124, %cond3A_125 : i32
      scf.if %cond3A_126 {
        %ge3A = arith.constant 4 : i32
        %ge3A_137 = arith.cmpi sge, %while3A_106, %ge3A : i32
        %add3A_138 = arith.constant 2 : i32
        %add3A_139 = arith.addi %while3A_106, %add3A_138 : i32
        %lt3A_140 = arith.cmpi slt, %add3A_139, %select_n3A : i32
        %and3A = arith.andi %ge3A_137, %lt3A_140 : i1
        %convert_element_type3A_141 = arith.extui %and3A : i1 to i32
        %cond3A_142 = arith.constant 0 : i32
        %cond3A_143 = arith.cmpi ne, %convert_element_type3A_141, %cond3A_142 : i32
        scf.if %cond3A_143 {
          %dma_wait3A_171 = arith.constant 5 : i32
          %dma_wait3A_172 = arith.constant 0 : i32
          %dma_wait3A_173 = arith.constant 0 : i32
          %dma_wait3A_174 = tpu.memref_slice %arg6[%dma_wait3A_171, %dma_wait3A_172, %dma_wait3A_173] : memref<6x128x128xf32, #tpu.memory_space<vmem>> -> memref<1x128x128xf32, #tpu.memory_space<vmem>>
          %dma_wait3A_175 = tpu.memref_squeeze %dma_wait3A_174 : memref<1x128x128xf32, #tpu.memory_space<vmem>> -> memref<128x128xf32, #tpu.memory_space<vmem>>
          %dma_wait3A_176 = arith.constant 0 : i32
          %dma_wait3A_177 = arith.constant 0 : i32
          %dma_wait3A_178 = tpu.memref_slice %arg4[%dma_wait3A_176, %dma_wait3A_177] : memref<100000x128xf32, #tpu.memory_space<hbm>> -> memref<128x128xf32, #tpu.memory_space<hbm>>
          %dma_wait3A_179 = arith.constant 0 : i32
          %dma_wait3A_180 = arith.constant 0 : i32
          %dma_wait3A_181 = tpu.memref_slice %arg4[%dma_wait3A_179, %dma_wait3A_180] : memref<100000x128xf32, #tpu.memory_space<hbm>> -> memref<128x128xf32, #tpu.memory_space<hbm>>
          %dma_wait3A_182 = arith.constant 0 : i32
          %dma_wait3A_183 = arith.constant 0 : i32
          %dma_wait3A_184 = tpu.memref_slice %arg6[%dma_wait3A_171, %dma_wait3A_182, %dma_wait3A_183] : memref<6x128x128xf32, #tpu.memory_space<vmem>> -> memref<1x128x128xf32, #tpu.memory_space<vmem>>
          %dma_wait3A_185 = tpu.memref_squeeze %dma_wait3A_184 : memref<1x128x128xf32, #tpu.memory_space<vmem>> -> memref<128x128xf32, #tpu.memory_space<vmem>>
          tpu.wait_dma2 semaphore(%arg19 : memref<!tpu.dma_semaphore, #tpu.memory_space<semaphore_mem>>) src(%dma_wait3A_185 : memref<128x128xf32, #tpu.memory_space<vmem>>) dst(%dma_wait3A_181 : memref<128x128xf32, #tpu.memory_space<hbm>>)
          %add3A_186 = arith.constant 2 : i32
          %add3A_187 = arith.addi %while3A_106, %add3A_186 : i32
          %mul3A_188 = arith.constant 128 : i32
          %mul3A_189 = arith.muli %add3A_187, %mul3A_188 : i32
          %dma_start3A_190 = arith.constant 5 : i32
          %dma_start3A_191 = arith.constant 0 : i32
          %dma_start3A_192 = arith.constant 0 : i32
          %dma_start3A_193 = tpu.memref_slice %arg6[%dma_start3A_190, %dma_start3A_191, %dma_start3A_192] : memref<6x128x128xf32, #tpu.memory_space<vmem>> -> memref<1x128x128xf32, #tpu.memory_space<vmem>>
          %dma_start3A_194 = tpu.memref_squeeze %dma_start3A_193 : memref<1x128x128xf32, #tpu.memory_space<vmem>> -> memref<128x128xf32, #tpu.memory_space<vmem>>
          %dma_start3A_195 = tpu.memref_slice %arg5[%mul3A_189] : memref<3128xi32, #tpu.memory_space<vmem>> -> memref<128xi32, #tpu.memory_space<vmem>>
          %dma_start3A_196 = arith.constant 0 : i32
          %dma_start3A_197 = arith.constant 0 : i32
          %dma_start3A_198 = tpu.memref_slice %arg7[%dma_start3A_196, %dma_start3A_197] : memref<2048x128xf32, #tpu.memory_space<vmem_shared>> -> memref<2048x128xf32, #tpu.memory_space<vmem_shared>>
          tpu.enqueue_indirect_dma source(%dma_start3A_198 : memref<2048x128xf32, #tpu.memory_space<vmem_shared>>) target(%dma_start3A_194 : memref<128x128xf32, #tpu.memory_space<vmem>>) offsets(%dma_start3A_195 : memref<128xi32, #tpu.memory_space<vmem>>) semaphore(%arg13 : memref<!tpu.dma_semaphore, #tpu.memory_space<semaphore_mem>>)
        } else {
        }
        %mul3A_144 = arith.constant 128 : i32
        %mul3A_145 = arith.muli %while3A_106, %mul3A_144 : i32
        %dma_wait3A_146 = arith.constant 3 : i32
        %dma_wait3A_147 = arith.constant 0 : i32
        %dma_wait3A_148 = arith.constant 0 : i32
        %dma_wait3A_149 = tpu.memref_slice %arg6[%dma_wait3A_146, %dma_wait3A_147, %dma_wait3A_148] : memref<6x128x128xf32, #tpu.memory_space<vmem>> -> memref<1x128x128xf32, #tpu.memory_space<vmem>>
        %dma_wait3A_150 = tpu.memref_squeeze %dma_wait3A_149 : memref<1x128x128xf32, #tpu.memory_space<vmem>> -> memref<128x128xf32, #tpu.memory_space<vmem>>
        %dma_wait3A_151 = tpu.memref_slice %arg5[%mul3A_145] : memref<3128xi32, #tpu.memory_space<vmem>> -> memref<128xi32, #tpu.memory_space<vmem>>
        %dma_wait3A_152 = arith.constant 0 : i32
        %dma_wait3A_153 = arith.constant 0 : i32
        %dma_wait3A_154 = tpu.memref_slice %arg7[%dma_wait3A_152, %dma_wait3A_153] : memref<2048x128xf32, #tpu.memory_space<vmem_shared>> -> memref<2048x128xf32, #tpu.memory_space<vmem_shared>>
        tpu.wait_indirect_dma semaphore(%arg11 : memref<!tpu.dma_semaphore, #tpu.memory_space<semaphore_mem>>) src(%dma_wait3A_154 : memref<2048x128xf32, #tpu.memory_space<vmem_shared>>) dst(%dma_wait3A_150 : memref<128x128xf32, #tpu.memory_space<vmem>>)
        %mul3A_155 = arith.constant 128 : i32
        %mul3A_156 = arith.muli %while3A_106, %mul3A_155 : i32
        %add3A_157 = arith.addi %multiple_of3A, %mul3A_156 : i32
        %dma_start3A_158 = arith.constant 3 : i32
        %dma_start3A_159 = arith.constant 0 : i32
        %dma_start3A_160 = arith.constant 0 : i32
        %dma_start3A_161 = tpu.memref_slice %arg6[%dma_start3A_158, %dma_start3A_159, %dma_start3A_160] : memref<6x128x128xf32, #tpu.memory_space<vmem>> -> memref<1x128x128xf32, #tpu.memory_space<vmem>>
        %dma_start3A_162 = tpu.memref_squeeze %dma_start3A_161 : memref<1x128x128xf32, #tpu.memory_space<vmem>> -> memref<128x128xf32, #tpu.memory_space<vmem>>
        %dma_start3A_163 = arith.constant 0 : i32
        %dma_start3A_164 = tpu.memref_slice %arg4[%add3A_157, %dma_start3A_163] : memref<100000x128xf32, #tpu.memory_space<hbm>> -> memref<128x128xf32, #tpu.memory_space<hbm>>
        %dma_start3A_165 = arith.constant 0 : i32
        %dma_start3A_166 = tpu.memref_slice %arg4[%add3A_157, %dma_start3A_165] : memref<100000x128xf32, #tpu.memory_space<hbm>> -> memref<128x128xf32, #tpu.memory_space<hbm>>
        %dma_start3A_167 = arith.constant 0 : i32
        %dma_start3A_168 = arith.constant 0 : i32
        %dma_start3A_169 = tpu.memref_slice %arg6[%dma_start3A_158, %dma_start3A_167, %dma_start3A_168] : memref<6x128x128xf32, #tpu.memory_space<vmem>> -> memref<1x128x128xf32, #tpu.memory_space<vmem>>
        %dma_start3A_170 = tpu.memref_squeeze %dma_start3A_169 : memref<1x128x128xf32, #tpu.memory_space<vmem>> -> memref<128x128xf32, #tpu.memory_space<vmem>>
        tpu.enqueue_dma source(%dma_start3A_170 : memref<128x128xf32, #tpu.memory_space<vmem>>) target(%dma_start3A_166 : memref<128x128xf32, #tpu.memory_space<hbm>>) target_semaphore(%arg17 : memref<!tpu.dma_semaphore, #tpu.memory_space<semaphore_mem>>)
      } else {
      }
      %eq3A_127 = arith.constant 4 : i32
      %eq3A_128 = arith.cmpi eq, %rem3A_107, %eq3A_127 : i32
      %convert_element_type3A_129 = arith.extui %eq3A_128 : i1 to i32
      %cond3A_130 = arith.constant 0 : i32
      %cond3A_131 = arith.cmpi ne, %convert_element_type3A_129, %cond3A_130 : i32
      scf.if %cond3A_131 {
        %ge3A = arith.constant 4 : i32
        %ge3A_137 = arith.cmpi sge, %while3A_106, %ge3A : i32
        %add3A_138 = arith.constant 2 : i32
        %add3A_139 = arith.addi %while3A_106, %add3A_138 : i32
        %lt3A_140 = arith.cmpi slt, %add3A_139, %select_n3A : i32
        %and3A = arith.andi %ge3A_137, %lt3A_140 : i1
        %convert_element_type3A_141 = arith.extui %and3A : i1 to i32
        %cond3A_142 = arith.constant 0 : i32
        %cond3A_143 = arith.cmpi ne, %convert_element_type3A_141, %cond3A_142 : i32
        scf.if %cond3A_143 {
          %dma_wait3A_171 = arith.constant 0 : i32
          %dma_wait3A_172 = arith.constant 0 : i32
          %dma_wait3A_173 = arith.constant 0 : i32
          %dma_wait3A_174 = tpu.memref_slice %arg6[%dma_wait3A_171, %dma_wait3A_172, %dma_wait3A_173] : memref<6x128x128xf32, #tpu.memory_space<vmem>> -> memref<1x128x128xf32, #tpu.memory_space<vmem>>
          %dma_wait3A_175 = tpu.memref_squeeze %dma_wait3A_174 : memref<1x128x128xf32, #tpu.memory_space<vmem>> -> memref<128x128xf32, #tpu.memory_space<vmem>>
          %dma_wait3A_176 = arith.constant 0 : i32
          %dma_wait3A_177 = arith.constant 0 : i32
          %dma_wait3A_178 = tpu.memref_slice %arg4[%dma_wait3A_176, %dma_wait3A_177] : memref<100000x128xf32, #tpu.memory_space<hbm>> -> memref<128x128xf32, #tpu.memory_space<hbm>>
          %dma_wait3A_179 = arith.constant 0 : i32
          %dma_wait3A_180 = arith.constant 0 : i32
          %dma_wait3A_181 = tpu.memref_slice %arg4[%dma_wait3A_179, %dma_wait3A_180] : memref<100000x128xf32, #tpu.memory_space<hbm>> -> memref<128x128xf32, #tpu.memory_space<hbm>>
          %dma_wait3A_182 = arith.constant 0 : i32
          %dma_wait3A_183 = arith.constant 0 : i32
          %dma_wait3A_184 = tpu.memref_slice %arg6[%dma_wait3A_171, %dma_wait3A_182, %dma_wait3A_183] : memref<6x128x128xf32, #tpu.memory_space<vmem>> -> memref<1x128x128xf32, #tpu.memory_space<vmem>>
          %dma_wait3A_185 = tpu.memref_squeeze %dma_wait3A_184 : memref<1x128x128xf32, #tpu.memory_space<vmem>> -> memref<128x128xf32, #tpu.memory_space<vmem>>
          tpu.wait_dma2 semaphore(%arg14 : memref<!tpu.dma_semaphore, #tpu.memory_space<semaphore_mem>>) src(%dma_wait3A_185 : memref<128x128xf32, #tpu.memory_space<vmem>>) dst(%dma_wait3A_181 : memref<128x128xf32, #tpu.memory_space<hbm>>)
          %add3A_186 = arith.constant 2 : i32
          %add3A_187 = arith.addi %while3A_106, %add3A_186 : i32
          %mul3A_188 = arith.constant 128 : i32
          %mul3A_189 = arith.muli %add3A_187, %mul3A_188 : i32
          %dma_start3A_190 = arith.constant 0 : i32
          %dma_start3A_191 = arith.constant 0 : i32
          %dma_start3A_192 = arith.constant 0 : i32
          %dma_start3A_193 = tpu.memref_slice %arg6[%dma_start3A_190, %dma_start3A_191, %dma_start3A_192] : memref<6x128x128xf32, #tpu.memory_space<vmem>> -> memref<1x128x128xf32, #tpu.memory_space<vmem>>
          %dma_start3A_194 = tpu.memref_squeeze %dma_start3A_193 : memref<1x128x128xf32, #tpu.memory_space<vmem>> -> memref<128x128xf32, #tpu.memory_space<vmem>>
          %dma_start3A_195 = tpu.memref_slice %arg5[%mul3A_189] : memref<3128xi32, #tpu.memory_space<vmem>> -> memref<128xi32, #tpu.memory_space<vmem>>
          %dma_start3A_196 = arith.constant 0 : i32
          %dma_start3A_197 = arith.constant 0 : i32
          %dma_start3A_198 = tpu.memref_slice %arg7[%dma_start3A_196, %dma_start3A_197] : memref<2048x128xf32, #tpu.memory_space<vmem_shared>> -> memref<2048x128xf32, #tpu.memory_space<vmem_shared>>
          tpu.enqueue_indirect_dma source(%dma_start3A_198 : memref<2048x128xf32, #tpu.memory_space<vmem_shared>>) target(%dma_start3A_194 : memref<128x128xf32, #tpu.memory_space<vmem>>) offsets(%dma_start3A_195 : memref<128xi32, #tpu.memory_space<vmem>>) semaphore(%arg8 : memref<!tpu.dma_semaphore, #tpu.memory_space<semaphore_mem>>)
        } else {
        }
        %mul3A_144 = arith.constant 128 : i32
        %mul3A_145 = arith.muli %while3A_106, %mul3A_144 : i32
        %dma_wait3A_146 = arith.constant 4 : i32
        %dma_wait3A_147 = arith.constant 0 : i32
        %dma_wait3A_148 = arith.constant 0 : i32
        %dma_wait3A_149 = tpu.memref_slice %arg6[%dma_wait3A_146, %dma_wait3A_147, %dma_wait3A_148] : memref<6x128x128xf32, #tpu.memory_space<vmem>> -> memref<1x128x128xf32, #tpu.memory_space<vmem>>
        %dma_wait3A_150 = tpu.memref_squeeze %dma_wait3A_149 : memref<1x128x128xf32, #tpu.memory_space<vmem>> -> memref<128x128xf32, #tpu.memory_space<vmem>>
        %dma_wait3A_151 = tpu.memref_slice %arg5[%mul3A_145] : memref<3128xi32, #tpu.memory_space<vmem>> -> memref<128xi32, #tpu.memory_space<vmem>>
        %dma_wait3A_152 = arith.constant 0 : i32
        %dma_wait3A_153 = arith.constant 0 : i32
        %dma_wait3A_154 = tpu.memref_slice %arg7[%dma_wait3A_152, %dma_wait3A_153] : memref<2048x128xf32, #tpu.memory_space<vmem_shared>> -> memref<2048x128xf32, #tpu.memory_space<vmem_shared>>
        tpu.wait_indirect_dma semaphore(%arg12 : memref<!tpu.dma_semaphore, #tpu.memory_space<semaphore_mem>>) src(%dma_wait3A_154 : memref<2048x128xf32, #tpu.memory_space<vmem_shared>>) dst(%dma_wait3A_150 : memref<128x128xf32, #tpu.memory_space<vmem>>)
        %mul3A_155 = arith.constant 128 : i32
        %mul3A_156 = arith.muli %while3A_106, %mul3A_155 : i32
        %add3A_157 = arith.addi %multiple_of3A, %mul3A_156 : i32
        %dma_start3A_158 = arith.constant 4 : i32
        %dma_start3A_159 = arith.constant 0 : i32
        %dma_start3A_160 = arith.constant 0 : i32
        %dma_start3A_161 = tpu.memref_slice %arg6[%dma_start3A_158, %dma_start3A_159, %dma_start3A_160] : memref<6x128x128xf32, #tpu.memory_space<vmem>> -> memref<1x128x128xf32, #tpu.memory_space<vmem>>
        %dma_start3A_162 = tpu.memref_squeeze %dma_start3A_161 : memref<1x128x128xf32, #tpu.memory_space<vmem>> -> memref<128x128xf32, #tpu.memory_space<vmem>>
        %dma_start3A_163 = arith.constant 0 : i32
        %dma_start3A_164 = tpu.memref_slice %arg4[%add3A_157, %dma_start3A_163] : memref<100000x128xf32, #tpu.memory_space<hbm>> -> memref<128x128xf32, #tpu.memory_space<hbm>>
        %dma_start3A_165 = arith.constant 0 : i32
        %dma_start3A_166 = tpu.memref_slice %arg4[%add3A_157, %dma_start3A_165] : memref<100000x128xf32, #tpu.memory_space<hbm>> -> memref<128x128xf32, #tpu.memory_space<hbm>>
        %dma_start3A_167 = arith.constant 0 : i32
        %dma_start3A_168 = arith.constant 0 : i32
        %dma_start3A_169 = tpu.memref_slice %arg6[%dma_start3A_158, %dma_start3A_167, %dma_start3A_168] : memref<6x128x128xf32, #tpu.memory_space<vmem>> -> memref<1x128x128xf32, #tpu.memory_space<vmem>>
        %dma_start3A_170 = tpu.memref_squeeze %dma_start3A_169 : memref<1x128x128xf32, #tpu.memory_space<vmem>> -> memref<128x128xf32, #tpu.memory_space<vmem>>
        tpu.enqueue_dma source(%dma_start3A_170 : memref<128x128xf32, #tpu.memory_space<vmem>>) target(%dma_start3A_166 : memref<128x128xf32, #tpu.memory_space<hbm>>) target_semaphore(%arg18 : memref<!tpu.dma_semaphore, #tpu.memory_space<semaphore_mem>>)
      } else {
      }
      %eq3A_132 = arith.constant 5 : i32
      %eq3A_133 = arith.cmpi eq, %rem3A_107, %eq3A_132 : i32
      %convert_element_type3A_134 = arith.extui %eq3A_133 : i1 to i32
      %cond3A_135 = arith.constant 0 : i32
      %cond3A_136 = arith.cmpi ne, %convert_element_type3A_134, %cond3A_135 : i32
      scf.if %cond3A_136 {
        %ge3A = arith.constant 4 : i32
        %ge3A_137 = arith.cmpi sge, %while3A_106, %ge3A : i32
        %add3A_138 = arith.constant 2 : i32
        %add3A_139 = arith.addi %while3A_106, %add3A_138 : i32
        %lt3A_140 = arith.cmpi slt, %add3A_139, %select_n3A : i32
        %and3A = arith.andi %ge3A_137, %lt3A_140 : i1
        %convert_element_type3A_141 = arith.extui %and3A : i1 to i32
        %cond3A_142 = arith.constant 0 : i32
        %cond3A_143 = arith.cmpi ne, %convert_element_type3A_141, %cond3A_142 : i32
        scf.if %cond3A_143 {
          %dma_wait3A_171 = arith.constant 1 : i32
          %dma_wait3A_172 = arith.constant 0 : i32
          %dma_wait3A_173 = arith.constant 0 : i32
          %dma_wait3A_174 = tpu.memref_slice %arg6[%dma_wait3A_171, %dma_wait3A_172, %dma_wait3A_173] : memref<6x128x128xf32, #tpu.memory_space<vmem>> -> memref<1x128x128xf32, #tpu.memory_space<vmem>>
          %dma_wait3A_175 = tpu.memref_squeeze %dma_wait3A_174 : memref<1x128x128xf32, #tpu.memory_space<vmem>> -> memref<128x128xf32, #tpu.memory_space<vmem>>
          %dma_wait3A_176 = arith.constant 0 : i32
          %dma_wait3A_177 = arith.constant 0 : i32
          %dma_wait3A_178 = tpu.memref_slice %arg4[%dma_wait3A_176, %dma_wait3A_177] : memref<100000x128xf32, #tpu.memory_space<hbm>> -> memref<128x128xf32, #tpu.memory_space<hbm>>
          %dma_wait3A_179 = arith.constant 0 : i32
          %dma_wait3A_180 = arith.constant 0 : i32
          %dma_wait3A_181 = tpu.memref_slice %arg4[%dma_wait3A_179, %dma_wait3A_180] : memref<100000x128xf32, #tpu.memory_space<hbm>> -> memref<128x128xf32, #tpu.memory_space<hbm>>
          %dma_wait3A_182 = arith.constant 0 : i32
          %dma_wait3A_183 = arith.constant 0 : i32
          %dma_wait3A_184 = tpu.memref_slice %arg6[%dma_wait3A_171, %dma_wait3A_182, %dma_wait3A_183] : memref<6x128x128xf32, #tpu.memory_space<vmem>> -> memref<1x128x128xf32, #tpu.memory_space<vmem>>
          %dma_wait3A_185 = tpu.memref_squeeze %dma_wait3A_184 : memref<1x128x128xf32, #tpu.memory_space<vmem>> -> memref<128x128xf32, #tpu.memory_space<vmem>>
          tpu.wait_dma2 semaphore(%arg15 : memref<!tpu.dma_semaphore, #tpu.memory_space<semaphore_mem>>) src(%dma_wait3A_185 : memref<128x128xf32, #tpu.memory_space<vmem>>) dst(%dma_wait3A_181 : memref<128x128xf32, #tpu.memory_space<hbm>>)
          %add3A_186 = arith.constant 2 : i32
          %add3A_187 = arith.addi %while3A_106, %add3A_186 : i32
          %mul3A_188 = arith.constant 128 : i32
          %mul3A_189 = arith.muli %add3A_187, %mul3A_188 : i32
          %dma_start3A_190 = arith.constant 1 : i32
          %dma_start3A_191 = arith.constant 0 : i32
          %dma_start3A_192 = arith.constant 0 : i32
          %dma_start3A_193 = tpu.memref_slice %arg6[%dma_start3A_190, %dma_start3A_191, %dma_start3A_192] : memref<6x128x128xf32, #tpu.memory_space<vmem>> -> memref<1x128x128xf32, #tpu.memory_space<vmem>>
          %dma_start3A_194 = tpu.memref_squeeze %dma_start3A_193 : memref<1x128x128xf32, #tpu.memory_space<vmem>> -> memref<128x128xf32, #tpu.memory_space<vmem>>
          %dma_start3A_195 = tpu.memref_slice %arg5[%mul3A_189] : memref<3128xi32, #tpu.memory_space<vmem>> -> memref<128xi32, #tpu.memory_space<vmem>>
          %dma_start3A_196 = arith.constant 0 : i32
          %dma_start3A_197 = arith.constant 0 : i32
          %dma_start3A_198 = tpu.memref_slice %arg7[%dma_start3A_196, %dma_start3A_197] : memref<2048x128xf32, #tpu.memory_space<vmem_shared>> -> memref<2048x128xf32, #tpu.memory_space<vmem_shared>>
          tpu.enqueue_indirect_dma source(%dma_start3A_198 : memref<2048x128xf32, #tpu.memory_space<vmem_shared>>) target(%dma_start3A_194 : memref<128x128xf32, #tpu.memory_space<vmem>>) offsets(%dma_start3A_195 : memref<128xi32, #tpu.memory_space<vmem>>) semaphore(%arg9 : memref<!tpu.dma_semaphore, #tpu.memory_space<semaphore_mem>>)
        } else {
        }
        %mul3A_144 = arith.constant 128 : i32
        %mul3A_145 = arith.muli %while3A_106, %mul3A_144 : i32
        %dma_wait3A_146 = arith.constant 5 : i32
        %dma_wait3A_147 = arith.constant 0 : i32
        %dma_wait3A_148 = arith.constant 0 : i32
        %dma_wait3A_149 = tpu.memref_slice %arg6[%dma_wait3A_146, %dma_wait3A_147, %dma_wait3A_148] : memref<6x128x128xf32, #tpu.memory_space<vmem>> -> memref<1x128x128xf32, #tpu.memory_space<vmem>>
        %dma_wait3A_150 = tpu.memref_squeeze %dma_wait3A_149 : memref<1x128x128xf32, #tpu.memory_space<vmem>> -> memref<128x128xf32, #tpu.memory_space<vmem>>
        %dma_wait3A_151 = tpu.memref_slice %arg5[%mul3A_145] : memref<3128xi32, #tpu.memory_space<vmem>> -> memref<128xi32, #tpu.memory_space<vmem>>
        %dma_wait3A_152 = arith.constant 0 : i32
        %dma_wait3A_153 = arith.constant 0 : i32
        %dma_wait3A_154 = tpu.memref_slice %arg7[%dma_wait3A_152, %dma_wait3A_153] : memref<2048x128xf32, #tpu.memory_space<vmem_shared>> -> memref<2048x128xf32, #tpu.memory_space<vmem_shared>>
        tpu.wait_indirect_dma semaphore(%arg13 : memref<!tpu.dma_semaphore, #tpu.memory_space<semaphore_mem>>) src(%dma_wait3A_154 : memref<2048x128xf32, #tpu.memory_space<vmem_shared>>) dst(%dma_wait3A_150 : memref<128x128xf32, #tpu.memory_space<vmem>>)
        %mul3A_155 = arith.constant 128 : i32
        %mul3A_156 = arith.muli %while3A_106, %mul3A_155 : i32
        %add3A_157 = arith.addi %multiple_of3A, %mul3A_156 : i32
        %dma_start3A_158 = arith.constant 5 : i32
        %dma_start3A_159 = arith.constant 0 : i32
        %dma_start3A_160 = arith.constant 0 : i32
        %dma_start3A_161 = tpu.memref_slice %arg6[%dma_start3A_158, %dma_start3A_159, %dma_start3A_160] : memref<6x128x128xf32, #tpu.memory_space<vmem>> -> memref<1x128x128xf32, #tpu.memory_space<vmem>>
        %dma_start3A_162 = tpu.memref_squeeze %dma_start3A_161 : memref<1x128x128xf32, #tpu.memory_space<vmem>> -> memref<128x128xf32, #tpu.memory_space<vmem>>
        %dma_start3A_163 = arith.constant 0 : i32
        %dma_start3A_164 = tpu.memref_slice %arg4[%add3A_157, %dma_start3A_163] : memref<100000x128xf32, #tpu.memory_space<hbm>> -> memref<128x128xf32, #tpu.memory_space<hbm>>
        %dma_start3A_165 = arith.constant 0 : i32
        %dma_start3A_166 = tpu.memref_slice %arg4[%add3A_157, %dma_start3A_165] : memref<100000x128xf32, #tpu.memory_space<hbm>> -> memref<128x128xf32, #tpu.memory_space<hbm>>
        %dma_start3A_167 = arith.constant 0 : i32
        %dma_start3A_168 = arith.constant 0 : i32
        %dma_start3A_169 = tpu.memref_slice %arg6[%dma_start3A_158, %dma_start3A_167, %dma_start3A_168] : memref<6x128x128xf32, #tpu.memory_space<vmem>> -> memref<1x128x128xf32, #tpu.memory_space<vmem>>
        %dma_start3A_170 = tpu.memref_squeeze %dma_start3A_169 : memref<1x128x128xf32, #tpu.memory_space<vmem>> -> memref<128x128xf32, #tpu.memory_space<vmem>>
        tpu.enqueue_dma source(%dma_start3A_170 : memref<128x128xf32, #tpu.memory_space<vmem>>) target(%dma_start3A_166 : memref<128x128xf32, #tpu.memory_space<hbm>>) target_semaphore(%arg19 : memref<!tpu.dma_semaphore, #tpu.memory_space<semaphore_mem>>)
      } else {
      }
    }
    %convert_element_type3A_98 = arith.extui %lt3A_1 : i1 to i32
    %cond3A_99 = arith.constant 0 : i32
    %cond3A_100 = arith.cmpi ne, %convert_element_type3A_98, %cond3A_99 : i32
    scf.if %cond3A_100 {
      %dma_wait3A_106 = arith.constant 0 : i32
      %dma_wait3A_107 = arith.constant 0 : i32
      %dma_wait3A_108 = arith.constant 0 : i32
      %dma_wait3A_109 = tpu.memref_slice %arg6[%dma_wait3A_106, %dma_wait3A_107, %dma_wait3A_108] : memref<6x128x128xf32, #tpu.memory_space<vmem>> -> memref<1x128x128xf32, #tpu.memory_space<vmem>>
      %dma_wait3A_110 = tpu.memref_squeeze %dma_wait3A_109 : memref<1x128x128xf32, #tpu.memory_space<vmem>> -> memref<128x128xf32, #tpu.memory_space<vmem>>
      %dma_wait3A_111 = arith.constant 0 : i32
      %dma_wait3A_112 = arith.constant 0 : i32
      %dma_wait3A_113 = tpu.memref_slice %arg4[%dma_wait3A_111, %dma_wait3A_112] : memref<100000x128xf32, #tpu.memory_space<hbm>> -> memref<128x128xf32, #tpu.memory_space<hbm>>
      %dma_wait3A_114 = arith.constant 0 : i32
      %dma_wait3A_115 = arith.constant 0 : i32
      %dma_wait3A_116 = tpu.memref_slice %arg4[%dma_wait3A_114, %dma_wait3A_115] : memref<100000x128xf32, #tpu.memory_space<hbm>> -> memref<128x128xf32, #tpu.memory_space<hbm>>
      %dma_wait3A_117 = arith.constant 0 : i32
      %dma_wait3A_118 = arith.constant 0 : i32
      %dma_wait3A_119 = tpu.memref_slice %arg6[%dma_wait3A_106, %dma_wait3A_117, %dma_wait3A_118] : memref<6x128x128xf32, #tpu.memory_space<vmem>> -> memref<1x128x128xf32, #tpu.memory_space<vmem>>
      %dma_wait3A_120 = tpu.memref_squeeze %dma_wait3A_119 : memref<1x128x128xf32, #tpu.memory_space<vmem>> -> memref<128x128xf32, #tpu.memory_space<vmem>>
      tpu.wait_dma2 semaphore(%arg14 : memref<!tpu.dma_semaphore, #tpu.memory_space<semaphore_mem>>) src(%dma_wait3A_120 : memref<128x128xf32, #tpu.memory_space<vmem>>) dst(%dma_wait3A_116 : memref<128x128xf32, #tpu.memory_space<hbm>>)
      %dma_start3A_121 = arith.constant 0 : i32
      %dma_start3A_122 = arith.constant 0 : i32
      %dma_start3A_123 = arith.constant 0 : i32
      %dma_start3A_124 = tpu.memref_slice %arg6[%dma_start3A_121, %dma_start3A_122, %dma_start3A_123] : memref<6x128x128xf32, #tpu.memory_space<vmem>> -> memref<1x128x128xf32, #tpu.memory_space<vmem>>
      %dma_start3A_125 = tpu.memref_squeeze %dma_start3A_124 : memref<1x128x128xf32, #tpu.memory_space<vmem>> -> memref<128x128xf32, #tpu.memory_space<vmem>>
      %dma_start3A_126 = arith.constant 0 : i32
      %dma_start3A_127 = arith.constant 0 : i32
      %dma_start3A_128 = tpu.memref_slice %dma_start3A_125[%dma_start3A_126, %dma_start3A_127] : memref<128x128xf32, #tpu.memory_space<vmem>> -> memref<56x128xf32, #tpu.memory_space<vmem>>
      %dma_start3A_129 = arith.constant 3072 : i32
      %dma_start3A_130 = tpu.memref_slice %arg5[%dma_start3A_129] : memref<3128xi32, #tpu.memory_space<vmem>> -> memref<56xi32, #tpu.memory_space<vmem>>
      %dma_start3A_131 = arith.constant 0 : i32
      %dma_start3A_132 = arith.constant 0 : i32
      %dma_start3A_133 = tpu.memref_slice %arg7[%dma_start3A_131, %dma_start3A_132] : memref<2048x128xf32, #tpu.memory_space<vmem_shared>> -> memref<2048x128xf32, #tpu.memory_space<vmem_shared>>
      tpu.enqueue_indirect_dma source(%dma_start3A_133 : memref<2048x128xf32, #tpu.memory_space<vmem_shared>>) target(%dma_start3A_128 : memref<56x128xf32, #tpu.memory_space<vmem>>) offsets(%dma_start3A_130 : memref<56xi32, #tpu.memory_space<vmem>>) semaphore(%arg8 : memref<!tpu.dma_semaphore, #tpu.memory_space<semaphore_mem>>)
      %dma_wait3A_134 = arith.constant 0 : i32
      %dma_wait3A_135 = arith.constant 0 : i32
      %dma_wait3A_136 = arith.constant 0 : i32
      %dma_wait3A_137 = tpu.memref_slice %arg6[%dma_wait3A_134, %dma_wait3A_135, %dma_wait3A_136] : memref<6x128x128xf32, #tpu.memory_space<vmem>> -> memref<1x128x128xf32, #tpu.memory_space<vmem>>
      %dma_wait3A_138 = tpu.memref_squeeze %dma_wait3A_137 : memref<1x128x128xf32, #tpu.memory_space<vmem>> -> memref<128x128xf32, #tpu.memory_space<vmem>>
      %dma_wait3A_139 = arith.constant 0 : i32
      %dma_wait3A_140 = arith.constant 0 : i32
      %dma_wait3A_141 = tpu.memref_slice %dma_wait3A_138[%dma_wait3A_139, %dma_wait3A_140] : memref<128x128xf32, #tpu.memory_space<vmem>> -> memref<56x128xf32, #tpu.memory_space<vmem>>
      %dma_wait3A_142 = arith.constant 3072 : i32
      %dma_wait3A_143 = tpu.memref_slice %arg5[%dma_wait3A_142] : memref<3128xi32, #tpu.memory_space<vmem>> -> memref<56xi32, #tpu.memory_space<vmem>>
      %dma_wait3A_144 = arith.constant 0 : i32
      %dma_wait3A_145 = arith.constant 0 : i32
      %dma_wait3A_146 = tpu.memref_slice %arg7[%dma_wait3A_144, %dma_wait3A_145] : memref<2048x128xf32, #tpu.memory_space<vmem_shared>> -> memref<2048x128xf32, #tpu.memory_space<vmem_shared>>
      tpu.wait_indirect_dma semaphore(%arg8 : memref<!tpu.dma_semaphore, #tpu.memory_space<semaphore_mem>>) src(%dma_wait3A_146 : memref<2048x128xf32, #tpu.memory_space<vmem_shared>>) dst(%dma_wait3A_141 : memref<56x128xf32, #tpu.memory_space<vmem>>)
      %add3A_147 = arith.constant 3072 : i32
      %add3A_148 = arith.addi %multiple_of3A, %add3A_147 : i32
      %dma_start3A_149 = arith.constant 0 : i32
      %dma_start3A_150 = arith.constant 0 : i32
      %dma_start3A_151 = arith.constant 0 : i32
      %dma_start3A_152 = tpu.memref_slice %arg6[%dma_start3A_149, %dma_start3A_150, %dma_start3A_151] : memref<6x128x128xf32, #tpu.memory_space<vmem>> -> memref<1x128x128xf32, #tpu.memory_space<vmem>>
      %dma_start3A_153 = tpu.memref_squeeze %dma_start3A_152 : memref<1x128x128xf32, #tpu.memory_space<vmem>> -> memref<128x128xf32, #tpu.memory_space<vmem>>
      %dma_start3A_154 = arith.constant 0 : i32
      %dma_start3A_155 = arith.constant 0 : i32
      %dma_start3A_156 = tpu.memref_slice %dma_start3A_153[%dma_start3A_154, %dma_start3A_155] : memref<128x128xf32, #tpu.memory_space<vmem>> -> memref<56x128xf32, #tpu.memory_space<vmem>>
      %dma_start3A_157 = arith.constant 0 : i32
      %dma_start3A_158 = tpu.memref_slice %arg4[%add3A_148, %dma_start3A_157] : memref<100000x128xf32, #tpu.memory_space<hbm>> -> memref<56x128xf32, #tpu.memory_space<hbm>>
      %dma_start3A_159 = arith.constant 0 : i32
      %dma_start3A_160 = tpu.memref_slice %arg4[%add3A_148, %dma_start3A_159] : memref<100000x128xf32, #tpu.memory_space<hbm>> -> memref<56x128xf32, #tpu.memory_space<hbm>>
      %dma_start3A_161 = arith.constant 0 : i32
      %dma_start3A_162 = arith.constant 0 : i32
      %dma_start3A_163 = tpu.memref_slice %arg6[%dma_start3A_149, %dma_start3A_161, %dma_start3A_162] : memref<6x128x128xf32, #tpu.memory_space<vmem>> -> memref<1x128x128xf32, #tpu.memory_space<vmem>>
      %dma_start3A_164 = tpu.memref_squeeze %dma_start3A_163 : memref<1x128x128xf32, #tpu.memory_space<vmem>> -> memref<128x128xf32, #tpu.memory_space<vmem>>
      %dma_start3A_165 = arith.constant 0 : i32
      %dma_start3A_166 = arith.constant 0 : i32
      %dma_start3A_167 = tpu.memref_slice %dma_start3A_164[%dma_start3A_165, %dma_start3A_166] : memref<128x128xf32, #tpu.memory_space<vmem>> -> memref<56x128xf32, #tpu.memory_space<vmem>>
      tpu.enqueue_dma source(%dma_start3A_167 : memref<56x128xf32, #tpu.memory_space<vmem>>) target(%dma_start3A_160 : memref<56x128xf32, #tpu.memory_space<hbm>>) target_semaphore(%arg14 : memref<!tpu.dma_semaphore, #tpu.memory_space<semaphore_mem>>)
      %dma_wait3A_168 = arith.constant 1 : i32
      %dma_wait3A_169 = arith.constant 0 : i32
      %dma_wait3A_170 = arith.constant 0 : i32
      %dma_wait3A_171 = tpu.memref_slice %arg6[%dma_wait3A_168, %dma_wait3A_169, %dma_wait3A_170] : memref<6x128x128xf32, #tpu.memory_space<vmem>> -> memref<1x128x128xf32, #tpu.memory_space<vmem>>
      %dma_wait3A_172 = tpu.memref_squeeze %dma_wait3A_171 : memref<1x128x128xf32, #tpu.memory_space<vmem>> -> memref<128x128xf32, #tpu.memory_space<vmem>>
      %dma_wait3A_173 = arith.constant 0 : i32
      %dma_wait3A_174 = arith.constant 0 : i32
      %dma_wait3A_175 = tpu.memref_slice %arg4[%dma_wait3A_173, %dma_wait3A_174] : memref<100000x128xf32, #tpu.memory_space<hbm>> -> memref<128x128xf32, #tpu.memory_space<hbm>>
      %dma_wait3A_176 = arith.constant 0 : i32
      %dma_wait3A_177 = arith.constant 0 : i32
      %dma_wait3A_178 = tpu.memref_slice %arg4[%dma_wait3A_176, %dma_wait3A_177] : memref<100000x128xf32, #tpu.memory_space<hbm>> -> memref<128x128xf32, #tpu.memory_space<hbm>>
      %dma_wait3A_179 = arith.constant 0 : i32
      %dma_wait3A_180 = arith.constant 0 : i32
      %dma_wait3A_181 = tpu.memref_slice %arg6[%dma_wait3A_168, %dma_wait3A_179, %dma_wait3A_180] : memref<6x128x128xf32, #tpu.memory_space<vmem>> -> memref<1x128x128xf32, #tpu.memory_space<vmem>>
      %dma_wait3A_182 = tpu.memref_squeeze %dma_wait3A_181 : memref<1x128x128xf32, #tpu.memory_space<vmem>> -> memref<128x128xf32, #tpu.memory_space<vmem>>
      tpu.wait_dma2 semaphore(%arg15 : memref<!tpu.dma_semaphore, #tpu.memory_space<semaphore_mem>>) src(%dma_wait3A_182 : memref<128x128xf32, #tpu.memory_space<vmem>>) dst(%dma_wait3A_178 : memref<128x128xf32, #tpu.memory_space<hbm>>)
      %dma_wait3A_183 = arith.constant 2 : i32
      %dma_wait3A_184 = arith.constant 0 : i32
      %dma_wait3A_185 = arith.constant 0 : i32
      %dma_wait3A_186 = tpu.memref_slice %arg6[%dma_wait3A_183, %dma_wait3A_184, %dma_wait3A_185] : memref<6x128x128xf32, #tpu.memory_space<vmem>> -> memref<1x128x128xf32, #tpu.memory_space<vmem>>
      %dma_wait3A_187 = tpu.memref_squeeze %dma_wait3A_186 : memref<1x128x128xf32, #tpu.memory_space<vmem>> -> memref<128x128xf32, #tpu.memory_space<vmem>>
      %dma_wait3A_188 = arith.constant 0 : i32
      %dma_wait3A_189 = arith.constant 0 : i32
      %dma_wait3A_190 = tpu.memref_slice %arg4[%dma_wait3A_188, %dma_wait3A_189] : memref<100000x128xf32, #tpu.memory_space<hbm>> -> memref<128x128xf32, #tpu.memory_space<hbm>>
      %dma_wait3A_191 = arith.constant 0 : i32
      %dma_wait3A_192 = arith.constant 0 : i32
      %dma_wait3A_193 = tpu.memref_slice %arg4[%dma_wait3A_191, %dma_wait3A_192] : memref<100000x128xf32, #tpu.memory_space<hbm>> -> memref<128x128xf32, #tpu.memory_space<hbm>>
      %dma_wait3A_194 = arith.constant 0 : i32
      %dma_wait3A_195 = arith.constant 0 : i32
      %dma_wait3A_196 = tpu.memref_slice %arg6[%dma_wait3A_183, %dma_wait3A_194, %dma_wait3A_195] : memref<6x128x128xf32, #tpu.memory_space<vmem>> -> memref<1x128x128xf32, #tpu.memory_space<vmem>>
      %dma_wait3A_197 = tpu.memref_squeeze %dma_wait3A_196 : memref<1x128x128xf32, #tpu.memory_space<vmem>> -> memref<128x128xf32, #tpu.memory_space<vmem>>
      tpu.wait_dma2 semaphore(%arg16 : memref<!tpu.dma_semaphore, #tpu.memory_space<semaphore_mem>>) src(%dma_wait3A_197 : memref<128x128xf32, #tpu.memory_space<vmem>>) dst(%dma_wait3A_193 : memref<128x128xf32, #tpu.memory_space<hbm>>)
      %dma_wait3A_198 = arith.constant 3 : i32
      %dma_wait3A_199 = arith.constant 0 : i32
      %dma_wait3A_200 = arith.constant 0 : i32
      %dma_wait3A_201 = tpu.memref_slice %arg6[%dma_wait3A_198, %dma_wait3A_199, %dma_wait3A_200] : memref<6x128x128xf32, #tpu.memory_space<vmem>> -> memref<1x128x128xf32, #tpu.memory_space<vmem>>
      %dma_wait3A_202 = tpu.memref_squeeze %dma_wait3A_201 : memref<1x128x128xf32, #tpu.memory_space<vmem>> -> memref<128x128xf32, #tpu.memory_space<vmem>>
      %dma_wait3A_203 = arith.constant 0 : i32
      %dma_wait3A_204 = arith.constant 0 : i32
      %dma_wait3A_205 = tpu.memref_slice %arg4[%dma_wait3A_203, %dma_wait3A_204] : memref<100000x128xf32, #tpu.memory_space<hbm>> -> memref<128x128xf32, #tpu.memory_space<hbm>>
      %dma_wait3A_206 = arith.constant 0 : i32
      %dma_wait3A_207 = arith.constant 0 : i32
      %dma_wait3A_208 = tpu.memref_slice %arg4[%dma_wait3A_206, %dma_wait3A_207] : memref<100000x128xf32, #tpu.memory_space<hbm>> -> memref<128x128xf32, #tpu.memory_space<hbm>>
      %dma_wait3A_209 = arith.constant 0 : i32
      %dma_wait3A_210 = arith.constant 0 : i32
      %dma_wait3A_211 = tpu.memref_slice %arg6[%dma_wait3A_198, %dma_wait3A_209, %dma_wait3A_210] : memref<6x128x128xf32, #tpu.memory_space<vmem>> -> memref<1x128x128xf32, #tpu.memory_space<vmem>>
      %dma_wait3A_212 = tpu.memref_squeeze %dma_wait3A_211 : memref<1x128x128xf32, #tpu.memory_space<vmem>> -> memref<128x128xf32, #tpu.memory_space<vmem>>
      tpu.wait_dma2 semaphore(%arg17 : memref<!tpu.dma_semaphore, #tpu.memory_space<semaphore_mem>>) src(%dma_wait3A_212 : memref<128x128xf32, #tpu.memory_space<vmem>>) dst(%dma_wait3A_208 : memref<128x128xf32, #tpu.memory_space<hbm>>)
      %dma_wait3A_213 = arith.constant 4 : i32
      %dma_wait3A_214 = arith.constant 0 : i32
      %dma_wait3A_215 = arith.constant 0 : i32
      %dma_wait3A_216 = tpu.memref_slice %arg6[%dma_wait3A_213, %dma_wait3A_214, %dma_wait3A_215] : memref<6x128x128xf32, #tpu.memory_space<vmem>> -> memref<1x128x128xf32, #tpu.memory_space<vmem>>
      %dma_wait3A_217 = tpu.memref_squeeze %dma_wait3A_216 : memref<1x128x128xf32, #tpu.memory_space<vmem>> -> memref<128x128xf32, #tpu.memory_space<vmem>>
      %dma_wait3A_218 = arith.constant 0 : i32
      %dma_wait3A_219 = arith.constant 0 : i32
      %dma_wait3A_220 = tpu.memref_slice %arg4[%dma_wait3A_218, %dma_wait3A_219] : memref<100000x128xf32, #tpu.memory_space<hbm>> -> memref<128x128xf32, #tpu.memory_space<hbm>>
      %dma_wait3A_221 = arith.constant 0 : i32
      %dma_wait3A_222 = arith.constant 0 : i32
      %dma_wait3A_223 = tpu.memref_slice %arg4[%dma_wait3A_221, %dma_wait3A_222] : memref<100000x128xf32, #tpu.memory_space<hbm>> -> memref<128x128xf32, #tpu.memory_space<hbm>>
      %dma_wait3A_224 = arith.constant 0 : i32
      %dma_wait3A_225 = arith.constant 0 : i32
      %dma_wait3A_226 = tpu.memref_slice %arg6[%dma_wait3A_213, %dma_wait3A_224, %dma_wait3A_225] : memref<6x128x128xf32, #tpu.memory_space<vmem>> -> memref<1x128x128xf32, #tpu.memory_space<vmem>>
      %dma_wait3A_227 = tpu.memref_squeeze %dma_wait3A_226 : memref<1x128x128xf32, #tpu.memory_space<vmem>> -> memref<128x128xf32, #tpu.memory_space<vmem>>
      tpu.wait_dma2 semaphore(%arg18 : memref<!tpu.dma_semaphore, #tpu.memory_space<semaphore_mem>>) src(%dma_wait3A_227 : memref<128x128xf32, #tpu.memory_space<vmem>>) dst(%dma_wait3A_223 : memref<128x128xf32, #tpu.memory_space<hbm>>)
      %dma_wait3A_228 = arith.constant 5 : i32
      %dma_wait3A_229 = arith.constant 0 : i32
      %dma_wait3A_230 = arith.constant 0 : i32
      %dma_wait3A_231 = tpu.memref_slice %arg6[%dma_wait3A_228, %dma_wait3A_229, %dma_wait3A_230] : memref<6x128x128xf32, #tpu.memory_space<vmem>> -> memref<1x128x128xf32, #tpu.memory_space<vmem>>
      %dma_wait3A_232 = tpu.memref_squeeze %dma_wait3A_231 : memref<1x128x128xf32, #tpu.memory_space<vmem>> -> memref<128x128xf32, #tpu.memory_space<vmem>>
      %dma_wait3A_233 = arith.constant 0 : i32
      %dma_wait3A_234 = arith.constant 0 : i32
      %dma_wait3A_235 = tpu.memref_slice %arg4[%dma_wait3A_233, %dma_wait3A_234] : memref<100000x128xf32, #tpu.memory_space<hbm>> -> memref<128x128xf32, #tpu.memory_space<hbm>>
      %dma_wait3A_236 = arith.constant 0 : i32
      %dma_wait3A_237 = arith.constant 0 : i32
      %dma_wait3A_238 = tpu.memref_slice %arg4[%dma_wait3A_236, %dma_wait3A_237] : memref<100000x128xf32, #tpu.memory_space<hbm>> -> memref<128x128xf32, #tpu.memory_space<hbm>>
      %dma_wait3A_239 = arith.constant 0 : i32
      %dma_wait3A_240 = arith.constant 0 : i32
      %dma_wait3A_241 = tpu.memref_slice %arg6[%dma_wait3A_228, %dma_wait3A_239, %dma_wait3A_240] : memref<6x128x128xf32, #tpu.memory_space<vmem>> -> memref<1x128x128xf32, #tpu.memory_space<vmem>>
      %dma_wait3A_242 = tpu.memref_squeeze %dma_wait3A_241 : memref<1x128x128xf32, #tpu.memory_space<vmem>> -> memref<128x128xf32, #tpu.memory_space<vmem>>
      tpu.wait_dma2 semaphore(%arg19 : memref<!tpu.dma_semaphore, #tpu.memory_space<semaphore_mem>>) src(%dma_wait3A_242 : memref<128x128xf32, #tpu.memory_space<vmem>>) dst(%dma_wait3A_238 : memref<128x128xf32, #tpu.memory_space<hbm>>)
      %dma_wait3A_243 = arith.constant 0 : i32
      %dma_wait3A_244 = arith.constant 0 : i32
      %dma_wait3A_245 = arith.constant 0 : i32
      %dma_wait3A_246 = tpu.memref_slice %arg6[%dma_wait3A_243, %dma_wait3A_244, %dma_wait3A_245] : memref<6x128x128xf32, #tpu.memory_space<vmem>> -> memref<1x128x128xf32, #tpu.memory_space<vmem>>
      %dma_wait3A_247 = tpu.memref_squeeze %dma_wait3A_246 : memref<1x128x128xf32, #tpu.memory_space<vmem>> -> memref<128x128xf32, #tpu.memory_space<vmem>>
      %dma_wait3A_248 = arith.constant 0 : i32
      %dma_wait3A_249 = arith.constant 0 : i32
      %dma_wait3A_250 = tpu.memref_slice %dma_wait3A_247[%dma_wait3A_248, %dma_wait3A_249] : memref<128x128xf32, #tpu.memory_space<vmem>> -> memref<56x128xf32, #tpu.memory_space<vmem>>
      %dma_wait3A_251 = arith.constant 0 : i32
      %dma_wait3A_252 = arith.constant 0 : i32
      %dma_wait3A_253 = tpu.memref_slice %arg4[%dma_wait3A_251, %dma_wait3A_252] : memref<100000x128xf32, #tpu.memory_space<hbm>> -> memref<56x128xf32, #tpu.memory_space<hbm>>
      %dma_wait3A_254 = arith.constant 0 : i32
      %dma_wait3A_255 = arith.constant 0 : i32
      %dma_wait3A_256 = tpu.memref_slice %arg4[%dma_wait3A_254, %dma_wait3A_255] : memref<100000x128xf32, #tpu.memory_space<hbm>> -> memref<56x128xf32, #tpu.memory_space<hbm>>
      %dma_wait3A_257 = arith.constant 0 : i32
      %dma_wait3A_258 = arith.constant 0 : i32
      %dma_wait3A_259 = tpu.memref_slice %arg6[%dma_wait3A_243, %dma_wait3A_257, %dma_wait3A_258] : memref<6x128x128xf32, #tpu.memory_space<vmem>> -> memref<1x128x128xf32, #tpu.memory_space<vmem>>
      %dma_wait3A_260 = tpu.memref_squeeze %dma_wait3A_259 : memref<1x128x128xf32, #tpu.memory_space<vmem>> -> memref<128x128xf32, #tpu.memory_space<vmem>>
      %dma_wait3A_261 = arith.constant 0 : i32
      %dma_wait3A_262 = arith.constant 0 : i32
      %dma_wait3A_263 = tpu.memref_slice %dma_wait3A_260[%dma_wait3A_261, %dma_wait3A_262] : memref<128x128xf32, #tpu.memory_space<vmem>> -> memref<56x128xf32, #tpu.memory_space<vmem>>
      tpu.wait_dma2 semaphore(%arg14 : memref<!tpu.dma_semaphore, #tpu.memory_space<semaphore_mem>>) src(%dma_wait3A_263 : memref<56x128xf32, #tpu.memory_space<vmem>>) dst(%dma_wait3A_256 : memref<56x128xf32, #tpu.memory_space<hbm>>)
    } else {
    }
    %not3A_101 = arith.constant true
    %not3A_102 = arith.xori %lt3A_1, %not3A_101 : i1
    %convert_element_type3A_103 = arith.extui %not3A_102 : i1 to i32
    %cond3A_104 = arith.constant 0 : i32
    %cond3A_105 = arith.cmpi ne, %convert_element_type3A_103, %cond3A_104 : i32
    scf.if %cond3A_105 {
      %dma_wait3A_106 = arith.constant 0 : i32
      %dma_wait3A_107 = arith.constant 0 : i32
      %dma_wait3A_108 = arith.constant 0 : i32
      %dma_wait3A_109 = tpu.memref_slice %arg6[%dma_wait3A_106, %dma_wait3A_107, %dma_wait3A_108] : memref<6x128x128xf32, #tpu.memory_space<vmem>> -> memref<1x128x128xf32, #tpu.memory_space<vmem>>
      %dma_wait3A_110 = tpu.memref_squeeze %dma_wait3A_109 : memref<1x128x128xf32, #tpu.memory_space<vmem>> -> memref<128x128xf32, #tpu.memory_space<vmem>>
      %dma_wait3A_111 = arith.constant 0 : i32
      %dma_wait3A_112 = arith.constant 0 : i32
      %dma_wait3A_113 = tpu.memref_slice %arg4[%dma_wait3A_111, %dma_wait3A_112] : memref<100000x128xf32, #tpu.memory_space<hbm>> -> memref<128x128xf32, #tpu.memory_space<hbm>>
      %dma_wait3A_114 = arith.constant 0 : i32
      %dma_wait3A_115 = arith.constant 0 : i32
      %dma_wait3A_116 = tpu.memref_slice %arg4[%dma_wait3A_114, %dma_wait3A_115] : memref<100000x128xf32, #tpu.memory_space<hbm>> -> memref<128x128xf32, #tpu.memory_space<hbm>>
      %dma_wait3A_117 = arith.constant 0 : i32
      %dma_wait3A_118 = arith.constant 0 : i32
      %dma_wait3A_119 = tpu.memref_slice %arg6[%dma_wait3A_106, %dma_wait3A_117, %dma_wait3A_118] : memref<6x128x128xf32, #tpu.memory_space<vmem>> -> memref<1x128x128xf32, #tpu.memory_space<vmem>>
      %dma_wait3A_120 = tpu.memref_squeeze %dma_wait3A_119 : memref<1x128x128xf32, #tpu.memory_space<vmem>> -> memref<128x128xf32, #tpu.memory_space<vmem>>
      tpu.wait_dma2 semaphore(%arg14 : memref<!tpu.dma_semaphore, #tpu.memory_space<semaphore_mem>>) src(%dma_wait3A_120 : memref<128x128xf32, #tpu.memory_space<vmem>>) dst(%dma_wait3A_116 : memref<128x128xf32, #tpu.memory_space<hbm>>)
      %dma_start3A_121 = arith.constant 0 : i32
      %dma_start3A_122 = arith.constant 0 : i32
      %dma_start3A_123 = arith.constant 0 : i32
      %dma_start3A_124 = tpu.memref_slice %arg6[%dma_start3A_121, %dma_start3A_122, %dma_start3A_123] : memref<6x128x128xf32, #tpu.memory_space<vmem>> -> memref<1x128x128xf32, #tpu.memory_space<vmem>>
      %dma_start3A_125 = tpu.memref_squeeze %dma_start3A_124 : memref<1x128x128xf32, #tpu.memory_space<vmem>> -> memref<128x128xf32, #tpu.memory_space<vmem>>
      %dma_start3A_126 = arith.constant 0 : i32
      %dma_start3A_127 = arith.constant 0 : i32
      %dma_start3A_128 = tpu.memref_slice %dma_start3A_125[%dma_start3A_126, %dma_start3A_127] : memref<128x128xf32, #tpu.memory_space<vmem>> -> memref<48x128xf32, #tpu.memory_space<vmem>>
      %dma_start3A_129 = arith.constant 3072 : i32
      %dma_start3A_130 = tpu.memref_slice %arg5[%dma_start3A_129] : memref<3128xi32, #tpu.memory_space<vmem>> -> memref<48xi32, #tpu.memory_space<vmem>>
      %dma_start3A_131 = arith.constant 0 : i32
      %dma_start3A_132 = arith.constant 0 : i32
      %dma_start3A_133 = tpu.memref_slice %arg7[%dma_start3A_131, %dma_start3A_132] : memref<2048x128xf32, #tpu.memory_space<vmem_shared>> -> memref<2048x128xf32, #tpu.memory_space<vmem_shared>>
      tpu.enqueue_indirect_dma source(%dma_start3A_133 : memref<2048x128xf32, #tpu.memory_space<vmem_shared>>) target(%dma_start3A_128 : memref<48x128xf32, #tpu.memory_space<vmem>>) offsets(%dma_start3A_130 : memref<48xi32, #tpu.memory_space<vmem>>) semaphore(%arg8 : memref<!tpu.dma_semaphore, #tpu.memory_space<semaphore_mem>>)
      %dma_wait3A_134 = arith.constant 0 : i32
      %dma_wait3A_135 = arith.constant 0 : i32
      %dma_wait3A_136 = arith.constant 0 : i32
      %dma_wait3A_137 = tpu.memref_slice %arg6[%dma_wait3A_134, %dma_wait3A_135, %dma_wait3A_136] : memref<6x128x128xf32, #tpu.memory_space<vmem>> -> memref<1x128x128xf32, #tpu.memory_space<vmem>>
      %dma_wait3A_138 = tpu.memref_squeeze %dma_wait3A_137 : memref<1x128x128xf32, #tpu.memory_space<vmem>> -> memref<128x128xf32, #tpu.memory_space<vmem>>
      %dma_wait3A_139 = arith.constant 0 : i32
      %dma_wait3A_140 = arith.constant 0 : i32
      %dma_wait3A_141 = tpu.memref_slice %dma_wait3A_138[%dma_wait3A_139, %dma_wait3A_140] : memref<128x128xf32, #tpu.memory_space<vmem>> -> memref<48x128xf32, #tpu.memory_space<vmem>>
      %dma_wait3A_142 = arith.constant 3072 : i32
      %dma_wait3A_143 = tpu.memref_slice %arg5[%dma_wait3A_142] : memref<3128xi32, #tpu.memory_space<vmem>> -> memref<48xi32, #tpu.memory_space<vmem>>
      %dma_wait3A_144 = arith.constant 0 : i32
      %dma_wait3A_145 = arith.constant 0 : i32
      %dma_wait3A_146 = tpu.memref_slice %arg7[%dma_wait3A_144, %dma_wait3A_145] : memref<2048x128xf32, #tpu.memory_space<vmem_shared>> -> memref<2048x128xf32, #tpu.memory_space<vmem_shared>>
      tpu.wait_indirect_dma semaphore(%arg8 : memref<!tpu.dma_semaphore, #tpu.memory_space<semaphore_mem>>) src(%dma_wait3A_146 : memref<2048x128xf32, #tpu.memory_space<vmem_shared>>) dst(%dma_wait3A_141 : memref<48x128xf32, #tpu.memory_space<vmem>>)
      %add3A_147 = arith.constant 3072 : i32
      %add3A_148 = arith.addi %multiple_of3A, %add3A_147 : i32
      %dma_start3A_149 = arith.constant 0 : i32
      %dma_start3A_150 = arith.constant 0 : i32
      %dma_start3A_151 = arith.constant 0 : i32
      %dma_start3A_152 = tpu.memref_slice %arg6[%dma_start3A_149, %dma_start3A_150, %dma_start3A_151] : memref<6x128x128xf32, #tpu.memory_space<vmem>> -> memref<1x128x128xf32, #tpu.memory_space<vmem>>
      %dma_start3A_153 = tpu.memref_squeeze %dma_start3A_152 : memref<1x128x128xf32, #tpu.memory_space<vmem>> -> memref<128x128xf32, #tpu.memory_space<vmem>>
      %dma_start3A_154 = arith.constant 0 : i32
      %dma_start3A_155 = arith.constant 0 : i32
      %dma_start3A_156 = tpu.memref_slice %dma_start3A_153[%dma_start3A_154, %dma_start3A_155] : memref<128x128xf32, #tpu.memory_space<vmem>> -> memref<48x128xf32, #tpu.memory_space<vmem>>
      %dma_start3A_157 = arith.constant 0 : i32
      %dma_start3A_158 = tpu.memref_slice %arg4[%add3A_148, %dma_start3A_157] : memref<100000x128xf32, #tpu.memory_space<hbm>> -> memref<48x128xf32, #tpu.memory_space<hbm>>
      %dma_start3A_159 = arith.constant 0 : i32
      %dma_start3A_160 = tpu.memref_slice %arg4[%add3A_148, %dma_start3A_159] : memref<100000x128xf32, #tpu.memory_space<hbm>> -> memref<48x128xf32, #tpu.memory_space<hbm>>
      %dma_start3A_161 = arith.constant 0 : i32
      %dma_start3A_162 = arith.constant 0 : i32
      %dma_start3A_163 = tpu.memref_slice %arg6[%dma_start3A_149, %dma_start3A_161, %dma_start3A_162] : memref<6x128x128xf32, #tpu.memory_space<vmem>> -> memref<1x128x128xf32, #tpu.memory_space<vmem>>
      %dma_start3A_164 = tpu.memref_squeeze %dma_start3A_163 : memref<1x128x128xf32, #tpu.memory_space<vmem>> -> memref<128x128xf32, #tpu.memory_space<vmem>>
      %dma_start3A_165 = arith.constant 0 : i32
      %dma_start3A_166 = arith.constant 0 : i32
      %dma_start3A_167 = tpu.memref_slice %dma_start3A_164[%dma_start3A_165, %dma_start3A_166] : memref<128x128xf32, #tpu.memory_space<vmem>> -> memref<48x128xf32, #tpu.memory_space<vmem>>
      tpu.enqueue_dma source(%dma_start3A_167 : memref<48x128xf32, #tpu.memory_space<vmem>>) target(%dma_start3A_160 : memref<48x128xf32, #tpu.memory_space<hbm>>) target_semaphore(%arg14 : memref<!tpu.dma_semaphore, #tpu.memory_space<semaphore_mem>>)
      %dma_wait3A_168 = arith.constant 1 : i32
      %dma_wait3A_169 = arith.constant 0 : i32
      %dma_wait3A_170 = arith.constant 0 : i32
      %dma_wait3A_171 = tpu.memref_slice %arg6[%dma_wait3A_168, %dma_wait3A_169, %dma_wait3A_170] : memref<6x128x128xf32, #tpu.memory_space<vmem>> -> memref<1x128x128xf32, #tpu.memory_space<vmem>>
      %dma_wait3A_172 = tpu.memref_squeeze %dma_wait3A_171 : memref<1x128x128xf32, #tpu.memory_space<vmem>> -> memref<128x128xf32, #tpu.memory_space<vmem>>
      %dma_wait3A_173 = arith.constant 0 : i32
      %dma_wait3A_174 = arith.constant 0 : i32
      %dma_wait3A_175 = tpu.memref_slice %arg4[%dma_wait3A_173, %dma_wait3A_174] : memref<100000x128xf32, #tpu.memory_space<hbm>> -> memref<128x128xf32, #tpu.memory_space<hbm>>
      %dma_wait3A_176 = arith.constant 0 : i32
      %dma_wait3A_177 = arith.constant 0 : i32
      %dma_wait3A_178 = tpu.memref_slice %arg4[%dma_wait3A_176, %dma_wait3A_177] : memref<100000x128xf32, #tpu.memory_space<hbm>> -> memref<128x128xf32, #tpu.memory_space<hbm>>
      %dma_wait3A_179 = arith.constant 0 : i32
      %dma_wait3A_180 = arith.constant 0 : i32
      %dma_wait3A_181 = tpu.memref_slice %arg6[%dma_wait3A_168, %dma_wait3A_179, %dma_wait3A_180] : memref<6x128x128xf32, #tpu.memory_space<vmem>> -> memref<1x128x128xf32, #tpu.memory_space<vmem>>
      %dma_wait3A_182 = tpu.memref_squeeze %dma_wait3A_181 : memref<1x128x128xf32, #tpu.memory_space<vmem>> -> memref<128x128xf32, #tpu.memory_space<vmem>>
      tpu.wait_dma2 semaphore(%arg15 : memref<!tpu.dma_semaphore, #tpu.memory_space<semaphore_mem>>) src(%dma_wait3A_182 : memref<128x128xf32, #tpu.memory_space<vmem>>) dst(%dma_wait3A_178 : memref<128x128xf32, #tpu.memory_space<hbm>>)
      %dma_wait3A_183 = arith.constant 2 : i32
      %dma_wait3A_184 = arith.constant 0 : i32
      %dma_wait3A_185 = arith.constant 0 : i32
      %dma_wait3A_186 = tpu.memref_slice %arg6[%dma_wait3A_183, %dma_wait3A_184, %dma_wait3A_185] : memref<6x128x128xf32, #tpu.memory_space<vmem>> -> memref<1x128x128xf32, #tpu.memory_space<vmem>>
      %dma_wait3A_187 = tpu.memref_squeeze %dma_wait3A_186 : memref<1x128x128xf32, #tpu.memory_space<vmem>> -> memref<128x128xf32, #tpu.memory_space<vmem>>
      %dma_wait3A_188 = arith.constant 0 : i32
      %dma_wait3A_189 = arith.constant 0 : i32
      %dma_wait3A_190 = tpu.memref_slice %arg4[%dma_wait3A_188, %dma_wait3A_189] : memref<100000x128xf32, #tpu.memory_space<hbm>> -> memref<128x128xf32, #tpu.memory_space<hbm>>
      %dma_wait3A_191 = arith.constant 0 : i32
      %dma_wait3A_192 = arith.constant 0 : i32
      %dma_wait3A_193 = tpu.memref_slice %arg4[%dma_wait3A_191, %dma_wait3A_192] : memref<100000x128xf32, #tpu.memory_space<hbm>> -> memref<128x128xf32, #tpu.memory_space<hbm>>
      %dma_wait3A_194 = arith.constant 0 : i32
      %dma_wait3A_195 = arith.constant 0 : i32
      %dma_wait3A_196 = tpu.memref_slice %arg6[%dma_wait3A_183, %dma_wait3A_194, %dma_wait3A_195] : memref<6x128x128xf32, #tpu.memory_space<vmem>> -> memref<1x128x128xf32, #tpu.memory_space<vmem>>
      %dma_wait3A_197 = tpu.memref_squeeze %dma_wait3A_196 : memref<1x128x128xf32, #tpu.memory_space<vmem>> -> memref<128x128xf32, #tpu.memory_space<vmem>>
      tpu.wait_dma2 semaphore(%arg16 : memref<!tpu.dma_semaphore, #tpu.memory_space<semaphore_mem>>) src(%dma_wait3A_197 : memref<128x128xf32, #tpu.memory_space<vmem>>) dst(%dma_wait3A_193 : memref<128x128xf32, #tpu.memory_space<hbm>>)
      %dma_wait3A_198 = arith.constant 3 : i32
      %dma_wait3A_199 = arith.constant 0 : i32
      %dma_wait3A_200 = arith.constant 0 : i32
      %dma_wait3A_201 = tpu.memref_slice %arg6[%dma_wait3A_198, %dma_wait3A_199, %dma_wait3A_200] : memref<6x128x128xf32, #tpu.memory_space<vmem>> -> memref<1x128x128xf32, #tpu.memory_space<vmem>>
      %dma_wait3A_202 = tpu.memref_squeeze %dma_wait3A_201 : memref<1x128x128xf32, #tpu.memory_space<vmem>> -> memref<128x128xf32, #tpu.memory_space<vmem>>
      %dma_wait3A_203 = arith.constant 0 : i32
      %dma_wait3A_204 = arith.constant 0 : i32
      %dma_wait3A_205 = tpu.memref_slice %arg4[%dma_wait3A_203, %dma_wait3A_204] : memref<100000x128xf32, #tpu.memory_space<hbm>> -> memref<128x128xf32, #tpu.memory_space<hbm>>
      %dma_wait3A_206 = arith.constant 0 : i32
      %dma_wait3A_207 = arith.constant 0 : i32
      %dma_wait3A_208 = tpu.memref_slice %arg4[%dma_wait3A_206, %dma_wait3A_207] : memref<100000x128xf32, #tpu.memory_space<hbm>> -> memref<128x128xf32, #tpu.memory_space<hbm>>
      %dma_wait3A_209 = arith.constant 0 : i32
      %dma_wait3A_210 = arith.constant 0 : i32
      %dma_wait3A_211 = tpu.memref_slice %arg6[%dma_wait3A_198, %dma_wait3A_209, %dma_wait3A_210] : memref<6x128x128xf32, #tpu.memory_space<vmem>> -> memref<1x128x128xf32, #tpu.memory_space<vmem>>
      %dma_wait3A_212 = tpu.memref_squeeze %dma_wait3A_211 : memref<1x128x128xf32, #tpu.memory_space<vmem>> -> memref<128x128xf32, #tpu.memory_space<vmem>>
      tpu.wait_dma2 semaphore(%arg17 : memref<!tpu.dma_semaphore, #tpu.memory_space<semaphore_mem>>) src(%dma_wait3A_212 : memref<128x128xf32, #tpu.memory_space<vmem>>) dst(%dma_wait3A_208 : memref<128x128xf32, #tpu.memory_space<hbm>>)
      %dma_wait3A_213 = arith.constant 4 : i32
      %dma_wait3A_214 = arith.constant 0 : i32
      %dma_wait3A_215 = arith.constant 0 : i32
      %dma_wait3A_216 = tpu.memref_slice %arg6[%dma_wait3A_213, %dma_wait3A_214, %dma_wait3A_215] : memref<6x128x128xf32, #tpu.memory_space<vmem>> -> memref<1x128x128xf32, #tpu.memory_space<vmem>>
      %dma_wait3A_217 = tpu.memref_squeeze %dma_wait3A_216 : memref<1x128x128xf32, #tpu.memory_space<vmem>> -> memref<128x128xf32, #tpu.memory_space<vmem>>
      %dma_wait3A_218 = arith.constant 0 : i32
      %dma_wait3A_219 = arith.constant 0 : i32
      %dma_wait3A_220 = tpu.memref_slice %arg4[%dma_wait3A_218, %dma_wait3A_219] : memref<100000x128xf32, #tpu.memory_space<hbm>> -> memref<128x128xf32, #tpu.memory_space<hbm>>
      %dma_wait3A_221 = arith.constant 0 : i32
      %dma_wait3A_222 = arith.constant 0 : i32
      %dma_wait3A_223 = tpu.memref_slice %arg4[%dma_wait3A_221, %dma_wait3A_222] : memref<100000x128xf32, #tpu.memory_space<hbm>> -> memref<128x128xf32, #tpu.memory_space<hbm>>
      %dma_wait3A_224 = arith.constant 0 : i32
      %dma_wait3A_225 = arith.constant 0 : i32
      %dma_wait3A_226 = tpu.memref_slice %arg6[%dma_wait3A_213, %dma_wait3A_224, %dma_wait3A_225] : memref<6x128x128xf32, #tpu.memory_space<vmem>> -> memref<1x128x128xf32, #tpu.memory_space<vmem>>
      %dma_wait3A_227 = tpu.memref_squeeze %dma_wait3A_226 : memref<1x128x128xf32, #tpu.memory_space<vmem>> -> memref<128x128xf32, #tpu.memory_space<vmem>>
      tpu.wait_dma2 semaphore(%arg18 : memref<!tpu.dma_semaphore, #tpu.memory_space<semaphore_mem>>) src(%dma_wait3A_227 : memref<128x128xf32, #tpu.memory_space<vmem>>) dst(%dma_wait3A_223 : memref<128x128xf32, #tpu.memory_space<hbm>>)
      %dma_wait3A_228 = arith.constant 5 : i32
      %dma_wait3A_229 = arith.constant 0 : i32
      %dma_wait3A_230 = arith.constant 0 : i32
      %dma_wait3A_231 = tpu.memref_slice %arg6[%dma_wait3A_228, %dma_wait3A_229, %dma_wait3A_230] : memref<6x128x128xf32, #tpu.memory_space<vmem>> -> memref<1x128x128xf32, #tpu.memory_space<vmem>>
      %dma_wait3A_232 = tpu.memref_squeeze %dma_wait3A_231 : memref<1x128x128xf32, #tpu.memory_space<vmem>> -> memref<128x128xf32, #tpu.memory_space<vmem>>
      %dma_wait3A_233 = arith.constant 0 : i32
      %dma_wait3A_234 = arith.constant 0 : i32
      %dma_wait3A_235 = tpu.memref_slice %arg4[%dma_wait3A_233, %dma_wait3A_234] : memref<100000x128xf32, #tpu.memory_space<hbm>> -> memref<128x128xf32, #tpu.memory_space<hbm>>
      %dma_wait3A_236 = arith.constant 0 : i32
      %dma_wait3A_237 = arith.constant 0 : i32
      %dma_wait3A_238 = tpu.memref_slice %arg4[%dma_wait3A_236, %dma_wait3A_237] : memref<100000x128xf32, #tpu.memory_space<hbm>> -> memref<128x128xf32, #tpu.memory_space<hbm>>
      %dma_wait3A_239 = arith.constant 0 : i32
      %dma_wait3A_240 = arith.constant 0 : i32
      %dma_wait3A_241 = tpu.memref_slice %arg6[%dma_wait3A_228, %dma_wait3A_239, %dma_wait3A_240] : memref<6x128x128xf32, #tpu.memory_space<vmem>> -> memref<1x128x128xf32, #tpu.memory_space<vmem>>
      %dma_wait3A_242 = tpu.memref_squeeze %dma_wait3A_241 : memref<1x128x128xf32, #tpu.memory_space<vmem>> -> memref<128x128xf32, #tpu.memory_space<vmem>>
      tpu.wait_dma2 semaphore(%arg19 : memref<!tpu.dma_semaphore, #tpu.memory_space<semaphore_mem>>) src(%dma_wait3A_242 : memref<128x128xf32, #tpu.memory_space<vmem>>) dst(%dma_wait3A_238 : memref<128x128xf32, #tpu.memory_space<hbm>>)
      %dma_wait3A_243 = arith.constant 0 : i32
      %dma_wait3A_244 = arith.constant 0 : i32
      %dma_wait3A_245 = arith.constant 0 : i32
      %dma_wait3A_246 = tpu.memref_slice %arg6[%dma_wait3A_243, %dma_wait3A_244, %dma_wait3A_245] : memref<6x128x128xf32, #tpu.memory_space<vmem>> -> memref<1x128x128xf32, #tpu.memory_space<vmem>>
      %dma_wait3A_247 = tpu.memref_squeeze %dma_wait3A_246 : memref<1x128x128xf32, #tpu.memory_space<vmem>> -> memref<128x128xf32, #tpu.memory_space<vmem>>
      %dma_wait3A_248 = arith.constant 0 : i32
      %dma_wait3A_249 = arith.constant 0 : i32
      %dma_wait3A_250 = tpu.memref_slice %dma_wait3A_247[%dma_wait3A_248, %dma_wait3A_249] : memref<128x128xf32, #tpu.memory_space<vmem>> -> memref<48x128xf32, #tpu.memory_space<vmem>>
      %dma_wait3A_251 = arith.constant 0 : i32
      %dma_wait3A_252 = arith.constant 0 : i32
      %dma_wait3A_253 = tpu.memref_slice %arg4[%dma_wait3A_251, %dma_wait3A_252] : memref<100000x128xf32, #tpu.memory_space<hbm>> -> memref<48x128xf32, #tpu.memory_space<hbm>>
      %dma_wait3A_254 = arith.constant 0 : i32
      %dma_wait3A_255 = arith.constant 0 : i32
      %dma_wait3A_256 = tpu.memref_slice %arg4[%dma_wait3A_254, %dma_wait3A_255] : memref<100000x128xf32, #tpu.memory_space<hbm>> -> memref<48x128xf32, #tpu.memory_space<hbm>>
      %dma_wait3A_257 = arith.constant 0 : i32
      %dma_wait3A_258 = arith.constant 0 : i32
      %dma_wait3A_259 = tpu.memref_slice %arg6[%dma_wait3A_243, %dma_wait3A_257, %dma_wait3A_258] : memref<6x128x128xf32, #tpu.memory_space<vmem>> -> memref<1x128x128xf32, #tpu.memory_space<vmem>>
      %dma_wait3A_260 = tpu.memref_squeeze %dma_wait3A_259 : memref<1x128x128xf32, #tpu.memory_space<vmem>> -> memref<128x128xf32, #tpu.memory_space<vmem>>
      %dma_wait3A_261 = arith.constant 0 : i32
      %dma_wait3A_262 = arith.constant 0 : i32
      %dma_wait3A_263 = tpu.memref_slice %dma_wait3A_260[%dma_wait3A_261, %dma_wait3A_262] : memref<128x128xf32, #tpu.memory_space<vmem>> -> memref<48x128xf32, #tpu.memory_space<vmem>>
      tpu.wait_dma2 semaphore(%arg14 : memref<!tpu.dma_semaphore, #tpu.memory_space<semaphore_mem>>) src(%dma_wait3A_263 : memref<48x128xf32, #tpu.memory_space<vmem>>) dst(%dma_wait3A_256 : memref<48x128xf32, #tpu.memory_space<hbm>>)
    } else {
    }
    return
  }
}

</mosaic_0001>

<sc_bundles>
// kernel: kernel.3.cloned.1.call-start
scs
__scs_entry_jumppad:
0x0: {  	(pc) =	sbr.rel $0x88, $3  }
0x1: {  	(tag) =	ssettag $0x0;
	lr =	simm.s32 $0x1  }
0x2: {  	[smem:$0x3F9F] =	sst lr;
	_ =	strace $0xD0000000  }
0x3: {  	_ = 	snop  }
0x4: {  	_ = 	snop  }
0x5: {  	_ = 	snop  }
0x6: {  	_ = 	snop  }
0x7: {  	_ = 	snop  }
__scs_overlays_trampoline_lowered:
0x8: {  	[smem:$0x3FAE] =	sst s0  }
0x9: {  	[smem:$0x3FAF] =	sst s1  }
0xa: {  	[smem:$0x3FB0] =	sst s2  }
0xb: {  	[smem:$0x3FB1] =	sst s3  }
0xc: {  	[smem:$0x3FB2] =	sst s4  }
0xd: {  	[smem:$0x3FB3] =	sst s5  }
0xe: {  	[smem:$0x3FB4] =	sst s6  }
0xf: {  	[smem:$0x3FB5] =	sst s7  }
0x10: {  	[smem:$0x3FB6] =	sst s8  }
0x11: {  	[smem:$0x3FB7] =	sst s9;
	s0 =	simm.s32 @!p0 $0x0  }
0x12: {  	s1 =	sld [smem:$0x3F9D];
	s0 =	simm.s32 @p0 $0x1  }
0x13: {  	[smem:$0x3FB8] =	sst s0;
	s0 =	simm.s32 @!p1 $0x0  }
0x14: {  	s2 =	sld [smem:$0x3F9C];
	s0 =	simm.s32 @p1 $0x1  }
0x15: {  	[smem:$0x3FB9] =	sst s0;
	s0 =	simm.s32 @!p2 $0x0  }
0x16: {  	s3 =	sld [smem:$0x3FDB];
	s0 =	simm.s32 @p2 $0x1  }
0x17: {  	s4 =	simm.s32 $0x1BF5;
	[smem:$0x3FBB] =	sst s0  }
0x18: {  	s0 =	sld [smem:$0x3F9E];
	_ =	swait.ge [sflag:s4], $0x0  }
0x19: {  	s7 =	sld [smem:$0x3F9F]  }
0x1a: {  	s8 =	sadd.s32 $0xFFFFE003, lr  }
0x1b: {  	s9 =	sadd.s32 $0xFFFFFEF7, lr;
	s5 =	simm.s32 $0xFFFFFFFF;
	p2 =	slt.u32 s8, $0xFFFFF086  }
0x1c: {  	p1 =	slt.u32 s9, $0xF7A;
	s5 =	simm.s32 @!p2 $0x0  }
0x1d: {  	s5 =	simm.s32 @p1 $0x1;
	p0 =	seq.s32 s7, s2  }
0x1e: {  	s7 =	smul.u32 @!p0 $0xF7A, s2;
	p2 =	seq.s32 @!p0 s5, $0x0  }
0x1f: {  	s9 =	smul.u32 $0xF7A, s1;
	s8 =	simm.s32 @!p0 $0x1BF5;
	p2 =	por !p2, p0  }
0x20: {  	[sflag:s8] =	ssyncset.s32 @!p0 $0xFFFFF086;
	s6 =	sadd.s32 @!p0 s3, s7;
	s7 =	simm.s32 @!p0 $0x108  }
0x21: {  	s3 =	sadd.s32 s3, s9;
	s6 =	sadd.s32 @!p0 $0x88, s6;
	s7 =	simm.s32 @p2 $0x1082  }
0x22: {  	[simem:s7], [sflag:s8] =	dma.local @!p0 [hbm:s6], $0xF7A  }
0x23: {  	s9 =	sor.u32 $0xD0000000, s2;
	s6 =	simm.s32 $0x108;
	_ =	swait.ge @!p0 [sflag:s8], $0x0  }
0x24: {  	s3 =	sadd.s32 $0x88, s3;
	s6 =	simm.s32 @!p1 $0x1082;
	[sflag:s4] =	ssyncset.s32 $0xFFFFF086  }
0x25: {  	[simem:s6], [sflag:s4] =	dma.local [hbm:s3], $0xF7A  }
0x26: {  	[smem:$0x3F9F] =	sst s1;
	(tag) =	ssettag s2;
	_ =	strace s9  }
0x27: {  	s1 =	sld [smem:$0x3FAF]  }
0x28: {  	s2 =	sld [smem:$0x3FB0]  }
0x29: {  	s4 =	sld [smem:$0x3FB2]  }
0x2a: {  	p0 =	seq.s32 s5, $0x0;
	s5 =	sld [smem:$0x3FB3]  }
0x2b: {  	s6 =	sld [smem:$0x3FB4]  }
0x2c: {  	s7 =	sld [smem:$0x3FB5]  }
0x2d: {  	s3 =	simm.s32 $0x108;
	s8 =	sld [smem:$0x3FB6]  }
0x2e: {  	s3 =	simm.s32 @!p0 $0x1082;
	s9 =	sld [smem:$0x3FB7]  }
0x2f: {  	lr =	sadd.s32 s0, s3;
	s0 =	sld [smem:$0x3FAE]  }
0x30: {  	s3 =	sld [smem:$0x3FB1]  }
0x31: {  	[smem:$0x3FBA] =	sst s10  }
0x32: {  	s10 =	sld [smem:$0x3FB8];
	_ =	sdelay $0x3  }
0x33: {  	p0 =	seq.s32 s10, $0x1;
	s10 =	sld [smem:$0x3FBA];
	_ =	sdelay $0x3  }
0x34: {  	[smem:$0x3FBA] =	sst s10  }
0x35: {  	s10 =	sld [smem:$0x3FB9];
	_ =	sdelay $0x3  }
0x36: {  	p1 =	seq.s32 s10, $0x1;
	s10 =	sld [smem:$0x3FBA];
	_ =	sdelay $0x3  }
0x37: {  	[smem:$0x3FBA] =	sst s10  }
0x38: {  	s10 =	sld [smem:$0x3FBB]  }
0x39: {  	_ = 	snop;
	(pc) =	sbr.ind lr, $3  }
0x3a: {  	_ = 	snop  }
0x3b: {  	_ = 	snop  }
0x3c: {  	p2 =	seq.s32 s10, $0x1;
	s10 =	sld [smem:$0x3FBA]  }
0x3d: {  	_ =	shalt  }
0x3e: {  	_ =	shalt  }
0x3f: {  	_ =	shalt  }
0x40: {  	_ =	shalt  }
0x41: {  	_ =	shalt  }
0x42: {  	_ =	shalt  }
0x43: {  	_ =	shalt  }
0x44: {  	_ =	shalt  }
0x45: {  	_ =	shalt  }
0x46: {  	_ =	shalt  }
0x47: {  	_ =	shalt  }
0x48: {  	_ =	shalt  }
0x49: {  	_ =	shalt  }
0x4a: {  	_ =	shalt  }
0x4b: {  	_ =	shalt  }
0x4c: {  	_ =	shalt  }
0x4d: {  	_ =	shalt  }
0x4e: {  	_ =	shalt  }
0x4f: {  	_ =	shalt  }
0x50: {  	_ =	shalt  }
0x51: {  	_ =	shalt  }
0x52: {  	_ =	shalt  }
0x53: {  	_ =	shalt  }
0x54: {  	_ =	shalt  }
0x55: {  	_ =	shalt  }
0x56: {  	_ =	shalt  }
0x57: {  	_ =	shalt  }
0x58: {  	_ =	shalt  }
0x59: {  	_ =	shalt  }
0x5a: {  	_ =	shalt  }
0x5b: {  	_ =	shalt  }
0x5c: {  	_ =	shalt  }
0x5d: {  	_ =	shalt  }
0x5e: {  	_ =	shalt  }
0x5f: {  	_ =	shalt  }
0x60: {  	_ =	shalt  }
0x61: {  	_ =	shalt  }
0x62: {  	_ =	shalt  }
0x63: {  	_ =	shalt  }
0x64: {  	_ =	shalt  }
0x65: {  	_ =	shalt  }
0x66: {  	_ =	shalt  }
0x67: {  	_ =	shalt  }
0x68: {  	_ =	shalt  }
0x69: {  	_ =	shalt  }
0x6a: {  	_ =	shalt  }
0x6b: {  	_ =	shalt  }
0x6c: {  	_ =	shalt  }
0x6d: {  	_ =	shalt  }
0x6e: {  	_ =	shalt  }
0x6f: {  	_ =	shalt  }
0x70: {  	_ =	shalt  }
0x71: {  	_ =	shalt  }
0x72: {  	_ =	shalt  }
0x73: {  	_ =	shalt  }
0x74: {  	_ =	shalt  }
0x75: {  	_ =	shalt  }
0x76: {  	_ =	shalt  }
0x77: {  	_ =	shalt  }
0x78: {  	_ =	shalt  }
0x79: {  	_ =	shalt  }
0x7a: {  	_ =	shalt  }
0x7b: {  	_ =	shalt  }
0x7c: {  	_ =	shalt  }
0x7d: {  	_ =	shalt  }
0x7e: {  	_ =	shalt  }
0x7f: {  	_ =	shalt  }
0x80: {  	_ =	shalt  }
0x81: {  	_ =	shalt  }
0x82: {  	_ =	shalt  }
0x83: {  	_ =	shalt  }
0x84: {  	_ =	shalt  }
0x85: {  	_ =	shalt  }
0x86: {  	_ =	shalt  }
0x87: {  	_ =	shalt  }
.Lfunc_end0:
.L_simem_size_0:
called_computation_lowered:
.L_overlay_start_0:
0x88: {  	s2 =	sld [smem:$0x3FD9]  }
0x89: {  	s3 =	sld [smem:$0x3FFE];
	_ =	sdelay $0x1  }
0x8a: {  	s1 =	srdreg.scid  }
0x8b: {  	s0 =	sand.u32 $0x1, s1  }
0x8c: {  	s18 =	sshll.u32 s0, $0xA;
	s2 =	sadd.s32 s3, s2  }
0x8d: {  	s2 =	sadd.s32 s2, s18  }
0x8e: {  	[smem:$0x3FC6] =	sst s2  }
0x8f: {  	_ = 	snop  }
0x90: {  	s2 =	sld [smem:$0x3FC9]  }
0x91: {  	s19 =	sld [smem:$0x3FC8]  }
0x92: {  	s4 =	sld [smem:$0x3FD0];
	(tm) =	ssettm $0x1  }
0x93: {  	s5 =	sld [smem:$0x3FFB];
	_ =	sdelay $0x3  }
0x94: {  	_ =	strace s5  }
0x95: {  	s5 =	sld [smem:$0x3FFC];
	_ =	sdelay $0x3  }
0x96: {  	_ =	strace s5  }
0x97: {  	s5 =	sld [smem:$0x3FFD];
	_ =	sdelay $0x3  }
0x98: {  	_ =	strace s5  }
0x99: {  	_ =	strace $0x8FFFFFFF  }
0x9a: {  	s20 =	sld [smem:$0x3FDB];
	_ =	sdelay $0x1  }
0x9b: {  	s6 =	simm.s32 $_scs_section_size  }
0x9c: {  	s7 =	simm.s32 $_size__tile_overlayer_lowered;
	s8 =	simm.s32 $_tile_overlayer_lowered  }
0x9d: {  	s23 =	simm.s32 $0x1BFF;
	s22 =	sshll.u32 s8, $0x1;
	s5 =	sadd.s32 s6, s20  }
0x9e: {  	s9 =	simm.s32 $0x0;
	s21 =	sshll.u32 s7, $0x1;
	s7 =	sadd.s32 s22, s5  }
0x9f: {  	[timem:s9], [sflag:s23] =	dma.local [hbm:s7], s21  }
0xa0: {  	_ =	swait.ge [sflag:s23], s21  }
0xa1: {  	s6 =	ssub.s32 $0x0, s21;
	[sflag:s23] =	ssyncset.done $0x0  }
0xa2: {  	[sflag:s23] =	ssyncadd.s32 s6;
	_ =	sdelay $0x1  }
0xa3: {  	s24 =	simm.s32 $0x1B8B  }
0xa4: {  	_ =	swait.ge [sflag:s24], $0x1  }
0xa5: {  	[sflag:s24] =	ssyncset.done $0x0  }
0xa6: {  	s25 =	simm.s32 $0x1B8E;
	[sflag:s24] =	ssyncadd.s32 $0xFFFFFFFF  }
0xa7: {  	s26 =	simm.s32 $execute0_lowered;
	[smem:$0x3FD2] =	sst s25  }
0xa8: {  	s6 =	sshll.u32 s26, $0x1;
	_ =	strace $0x80000046;
	[dreg:$0x1] =	wrdreg $0xFFFFFFFF  }
0xa9: {  	s28 =	simm.s32 $_size_execute0_lowered;
	s5 =	sadd.s32 s5, s6;
	[dreg:$0x0] =	wrdreg $0x0  }
0xaa: {  	s6 =	sshll.u32 s28, $0x1;
	[dreg:$0x2] =	wrdreg s5  }
0xab: {  	[dreg:$0x3] =	wrdreg s6  }
0xac: {  	[dreg:$0x4] =	wrdreg $0xC0  }
0xad: {  	_ =	task [dreg:s9], $0x5FFFF  }
0xae: {  	[dreg:$0x1] =	wrdreg $0xFFFFFFFF  }
0xaf: {  	[dreg:$0x0] =	wrdreg $0x60  }
0xb0: {  	[dreg:$0x2] =	wrdreg s2  }
0xb1: {  	[dreg:$0x3] =	wrdreg s19  }
0xb2: {  	[dreg:$0x4] =	wrdreg s4  }
0xb3: {  	[dreg:$0x5] =	wrdreg $0x18C800  }
0xb4: {  	[dreg:$0x6] =	wrdreg $0x9  }
0xb5: {  	_ =	task.clear_ibuf [dreg:s9], $0x7FFFF;
	_ =	strace $0x90000046  }
0xb6: {  	s29 =	simm.s32 $0x9;
	_ =	strace $0x80000048  }
0xb7: {  	_ =	swait.ge [sflag:s29], $0x1  }
0xb8: {  	[sflag:s29] =	ssyncadd.s32 $0xFFFFFFFF  }
0xb9: {  	_ =	strace $0x90000048  }
0xba: {  	_ =	sfence  }
0xbb: {  	s30 =	sld [smem:$0x0];
	_ =	sdelay $0x2  }
0xbc: {  	s31 =	sshll.u32 s1, $0xD;
	s1 =	sshrl.u32 s1, $0x2  }
0xbd: {  	s3 =	sand.u32 $0x4000, s31;
	s1 =	sadd.s32 s1, s30  }
0xbe: {  	s0 =	sor.u32 s3, s0;
	s1 =	sshll.u32 s1, $0x11  }
0xbf: {  	s0 =	sor.u32 s1, s0  }
0xc0: {  	s0 =	sadd.s32 $0x8F2B, s0  }
0xc1: {  	[sflag:s0] =	ssyncadd.remote.s32 $0x1  }
0xc2: {  	_ =	sfence.sel $0xFFFF  }
0xc3: {  	[dreg:$0x0] =	wrdreg $0xFFFFFFFF;
	(pc) =	sbr.abs _section_cstart, $3  }
0xc4: {  	[dreg:$0x1] =	wrdreg $0xFFFFFFFF  }
0xc5: {  	_ =	task.clear_ibuf [dreg:s9], $0x2FFFF;
	_ =	strace $0x9FFFFFFF  }
0xc6: {  	(tm) =	ssettm $0x7FFFFFFF  }
0xc7: {  	_ =	shalt  }
tec
execute0_lowered:
.L_overlay_start_1:
0x0: {  	(tag) =	ssettag $0x1  }
0x1: {  	s8 =	rddreg [dreg:$0x0]  }
0x2: {  	s4 =	rddreg [dreg:$0x1]  }
0x3: {  	s7 =	rddreg [dreg:$0x2]  }
0x4: {  	s2 =	rddreg [dreg:$0x3];
	s3 =	srdreg.scid  }
0x5: {  	s1 =	stileid.u32;
	s16 =	simm.s32 $0x4C80;
	s17 =	simm.s32 $0x8C80  }
0x6: {  	s18 =	simm.s32 $0x180;
	s19 =	simm.s32 $0xCC80;
	s20 =	simm.s32 $0x200  }
0x7: {  	s21 =	simm.s32 $0x10C80;
	s22 =	simm.s32 $0x280;
	s23 =	simm.s32 $0x14C80  }
0x8: {  	s24 =	simm.s32 $0x7;
	s25 =	simm.s32 $0x0;
	s5 =	sand.u32 $0x1, s3  }
0x9: {  	s3 =	simm.s32 $0x0;
	s9 =	sshll.u32 s1, $0x1;
	p0 =	sgt.u32 s1, $0x9  }
0xa: {  	s28 =	sshll.u32 s1, $0xE;
	s6 =	ssub.s32 $0x2, s5;
	s5 =	sor.u32 s5, s9  }
0xb: {  	s29 =	sshll.u32 s1, $0xB;
	s30 =	sshll.u32 s1, $0x6;
	s26 =	smul.u32 $0xC30, s5  }
0xc: {  	[smem:$0x7FF] =	sst s3;
	s13 =	sadd.s32 s28, s2;
	s9 =	smul.u32 $0xC38, s5  }
0xd: {  	s4 =	sadd.s32 s4, s29;
	s10 =	sshrl.u32 s6, $0x1;
	s15 =	smul.u32 $0x61C00, s5  }
0xe: {  	_ =	strace $0x80000047;
	s5 =	sor.u32 $0x1C0D, s30;
	s11 =	ssub.s32 s6, s10  }
0xf: {  	s12 =	sadd.s32 $0xA0, s26;
	s14 =	sshrl.u32 s9, $0x3;
	s31 =	sshrl.u32 s15, $0x3  }
.Ltmp0:
0x10: {  	s11 =	smax.u32 s11, $0x1;
	s15 =	simm.s32 $0xC80;
	(pc) =	sbr.rel .LBB2_1-.Ltmp0, $4  }
0x11: {  	s9 =	smov.u32 @p0 s12;
	s6 =	sadd.s32 s8, s14;
	s12 =	sshrl.u32 s12, $0x3  }
0x12: {  	s10 =	sadd.s32 s7, s31;
	s14 =	simm.s32 $0x80;
	s9 =	sshll.u32 s9, $0x4  }
0x13: {  	s8 =	sadd.s32 s8, s12;
	s12 =	sshrl.u32 s13, $0x3;
	s7 =	sadd.s32 s9, s7  }
0x14: {  	s13 =	simm.s32 $0xD;
	s9 =	sadd.s32 $0xC000, s10;
	s10 =	sadd.s32 $0xC000, s7  }
.LBB2_6:
0x15: {  	_ =	swait.ge [sflag:s24], $0x4000  }
0x16: {  	s0 =	simm.s32 @p0 $0x30;
	[sflag:s24] =	ssyncset.done $0x0  }
0x17: {  	s26 =	simm.s32 @p0 $0xC00;
	s28 =	simm.s32 @p0 $0xC80;
	[sflag:s24] =	ssyncadd.s32 $0xFFFFC000  }
0x18: {  	[tilespmem:s28], [sflag:$0x1] =	stream.indirect.gather @p0 [spmem:s2], $0x80, s26, s0, $0xb8;
	[tilespmem:$0x1CC80] =	vst v63  }
0x19: {  	s0 =	simm.s32 @p0 $0x1  }
0x1a: {  	_ =	swait.ge @p0 [sflag:s0], $0x1800  }
0x1b: {  	[sflag:s0] =	ssyncset.done @p0 $0x0  }
0x1c: {  	[sflag:s0] =	ssyncadd.s32 @p0 $0xFFFFE800;
	s0 =	simm.s32 @p0 $0x0  }
0x1d: {  	[hbm4b:s10+s0] =	stream.linear.scatter @p0 [tilespmem:s28], [sflag:$0x7], $0x1800, $0x38;
	[tilespmem:$0x1CC80] =	vst v63  }
0x1e: {  	s0 =	simm.s32 @p0 $0x8  }
0x1f: {  	_ =	swait.ge @p0 [sflag:s0], $0x4000  }
0x20: {  	[sflag:s0] =	ssyncset.done @p0 $0x0  }
0x21: {  	[sflag:s0] =	ssyncadd.s32 @p0 $0xFFFFC000;
	s0 =	simm.s32 @p0 $0x9  }
0x22: {  	_ =	swait.ge @p0 [sflag:s0], $0x4000  }
0x23: {  	[sflag:s0] =	ssyncset.done @p0 $0x0  }
0x24: {  	[sflag:s0] =	ssyncadd.s32 @p0 $0xFFFFC000;
	s0 =	simm.s32 @p0 $0xA  }
0x25: {  	_ =	swait.ge @p0 [sflag:s0], $0x4000  }
0x26: {  	[sflag:s0] =	ssyncset.done @p0 $0x0  }
0x27: {  	[sflag:s0] =	ssyncadd.s32 @p0 $0xFFFFC000;
	s0 =	simm.s32 @p0 $0xB  }
0x28: {  	_ =	swait.ge @p0 [sflag:s0], $0x4000  }
0x29: {  	[sflag:s0] =	ssyncset.done @p0 $0x0  }
0x2a: {  	[sflag:s0] =	ssyncadd.s32 @p0 $0xFFFFC000;
	s0 =	simm.s32 @p0 $0xC  }
0x2b: {  	_ =	swait.ge @p0 [sflag:s0], $0x4000  }
0x2c: {  	[sflag:s0] =	ssyncset.done @p0 $0x0  }
0x2d: {  	[sflag:s0] =	ssyncadd.s32 @p0 $0xFFFFC000;
	s0 =	simm.s32 @p0 $0x7  }
0x2e: {  	_ =	swait.ge @p0 [sflag:s0], $0x1800  }
0x2f: {  	s26 =	simm.s32 @!p0 $0xC00;
	[sflag:s0] =	ssyncset.done @p0 $0x0  }
0x30: {  	s28 =	simm.s32 @!p0 $0xC80;
	[sflag:s0] =	ssyncadd.s32 @p0 $0xFFFFE800;
	s0 =	simm.s32 @!p0 $0x38  }
0x31: {  	[tilespmem:s28], [sflag:$0x1] =	stream.indirect.gather @!p0 [spmem:s2], $0x80, s26, s0, $0xb8;
	[tilespmem:$0x1CC80] =	vst v63  }
0x32: {  	s0 =	simm.s32 @!p0 $0x1  }
0x33: {  	_ =	swait.ge @!p0 [sflag:s0], $0x1C00  }
0x34: {  	[sflag:s0] =	ssyncset.done @!p0 $0x0  }
0x35: {  	[sflag:s0] =	ssyncadd.s32 @!p0 $0xFFFFE400;
	s0 =	simm.s32 @!p0 $0x0  }
0x36: {  	[hbm4b:s9+s0] =	stream.linear.scatter @!p0 [tilespmem:s28], [sflag:$0x7], $0x1C00, $0x38;
	[tilespmem:$0x1CC80] =	vst v63  }
0x37: {  	s0 =	simm.s32 @!p0 $0x8  }
0x38: {  	_ =	swait.ge @!p0 [sflag:s0], $0x4000  }
0x39: {  	[sflag:s0] =	ssyncset.done @!p0 $0x0  }
0x3a: {  	[sflag:s0] =	ssyncadd.s32 @!p0 $0xFFFFC000;
	s0 =	simm.s32 @!p0 $0x9  }
0x3b: {  	_ =	swait.ge @!p0 [sflag:s0], $0x4000  }
0x3c: {  	[sflag:s0] =	ssyncset.done @!p0 $0x0  }
0x3d: {  	[sflag:s0] =	ssyncadd.s32 @!p0 $0xFFFFC000;
	s0 =	simm.s32 @!p0 $0xA  }
0x3e: {  	_ =	swait.ge @!p0 [sflag:s0], $0x4000  }
0x3f: {  	[sflag:s0] =	ssyncset.done @!p0 $0x0  }
0x40: {  	[sflag:s0] =	ssyncadd.s32 @!p0 $0xFFFFC000;
	s0 =	simm.s32 @!p0 $0xB  }
0x41: {  	_ =	swait.ge @!p0 [sflag:s0], $0x4000  }
0x42: {  	[sflag:s0] =	ssyncset.done @!p0 $0x0  }
0x43: {  	s25 =	sadd.s32 $0x1, s25;
	[sflag:s0] =	ssyncadd.s32 @!p0 $0xFFFFC000;
	s0 =	simm.s32 @!p0 $0xC  }
0x44: {  	p1 =	sne.s32 s25, s11;
	_ =	swait.ge @!p0 [sflag:s0], $0x4000  }
.Ltmp1:
0x45: {  	[sflag:s0] =	ssyncset.done @!p0 $0x0;
	(pc) =	sbr.rel @!p1 .LBB2_7-.Ltmp1, $4  }
0x46: {  	[sflag:s0] =	ssyncadd.s32 @!p0 $0xFFFFC000;
	s0 =	simm.s32 @!p0 $0x7  }
0x47: {  	_ =	swait.ge @!p0 [sflag:s0], $0x1C00  }
0x48: {  	[sflag:s0] =	ssyncset.done @!p0 $0x0  }
0x49: {  	[sflag:s0] =	ssyncadd.s32 @!p0 $0xFFFFE400  }
.LBB2_1:
0x4a: {  	[spmem:s12], [sflag:s5] =	dma.local [hbm:s4], $0x800  }
0x4b: {  	s26 =	simm.s32 @p0 $0x0  }
0x4c: {  	[tilespmem:s26], [sflag:$0x2] =	stream.linear.gather @p0 [hbm4b:s8+s26], $0xC30, $0x38;
	[tilespmem:$0x1CC80] =	vst v63  }
0x4d: {  	s26 =	simm.s32 @p0 $0x2  }
0x4e: {  	_ =	swait.ge @p0 [sflag:s26], $0xC30  }
0x4f: {  	[sflag:s26] =	ssyncset.done @p0 $0x0  }
0x50: {  	[sflag:s26] =	ssyncadd.s32 @p0 $0xFFFFF3D0;
	s26 =	simm.s32 @!p0 $0x0  }
0x51: {  	[tilespmem:s26], [sflag:$0x2] =	stream.linear.gather @!p0 [hbm4b:s6+s26], $0xC38, $0x38;
	[tilespmem:$0x1CC80] =	vst v63  }
0x52: {  	s26 =	simm.s32 @!p0 $0x2  }
0x53: {  	_ =	swait.ge @!p0 [sflag:s26], $0xC38  }
0x54: {  	[sflag:s26] =	ssyncset.done @!p0 $0x0  }
0x55: {  	[sflag:s26] =	ssyncadd.s32 @!p0 $0xFFFFF3C8  }
0x56: {  	_ =	swait.ge [sflag:s13], $0x800  }
0x57: {  	[sflag:s13] =	ssyncset.done $0x0  }
0x58: {  	[sflag:s13] =	ssyncadd.s32 $0xFFFFF800  }
0x59: {  	[bflag:$0x0] =	sbarrier.arrive $0xFFFF  }
0x5a: {  	[tilespmem:s15], [sflag:$0x1] =	stream.indirect.gather [spmem:s2], $0x80, s3, s14, $0xb8;
	[tilespmem:$0x1CC80] =	vst v63  }
0x5b: {  	_ = 	snop  }
0x5c: {  	[tilespmem:s16], [sflag:$0x2] =	stream.indirect.gather [spmem:s2], $0x80, s14, s14, $0xb8;
	[tilespmem:$0x1CC80] =	vst v63  }
0x5d: {  	s26 =	simm.s32 $0x100  }
0x5e: {  	[tilespmem:s17], [sflag:$0x3] =	stream.indirect.gather [spmem:s2], $0x80, s26, s14, $0xb8;
	[tilespmem:$0x1CC80] =	vst v63  }
0x5f: {  	_ = 	snop  }
0x60: {  	[tilespmem:s19], [sflag:$0x4] =	stream.indirect.gather [spmem:s2], $0x80, s18, s14, $0xb8;
	[tilespmem:$0x1CC80] =	vst v63  }
.Ltmp2:
0x61: {  	_ = 	snop;
	(pc) =	sbr.rel .LBB2_2-.Ltmp2, $4  }
0x62: {  	_ = 	snop  }
0x63: {  	[tilespmem:s21], [sflag:$0x5] =	stream.indirect.gather [spmem:s2], $0x80, s20, s14, $0xb8;
	[tilespmem:$0x1CC80] =	vst v63  }
0x64: {  	s28 =	simm.s32 $0xFFFFFFFC;
	s29 =	smov.u32 s7  }
0x65: {  	[tilespmem:s23], [sflag:$0x6] =	stream.indirect.gather [spmem:s2], $0x80, s22, s14, $0xb8;
	[tilespmem:$0x1CC80] =	vst v63  }
.LBB2_4:
0x66: {  	p1 =	seq.s32 s30, $0x3  }
0x67: {  	p2 =	sgt.u32 @p1 s28, $0x11  }
0x68: {  	p2 =	por p2, !p1  }
0x69: {  	s0 =	simm.s32 @!p2 $0xC  }
0x6a: {  	_ =	swait.ge @!p2 [sflag:s0], $0x4000  }
0x6b: {  	[sflag:s0] =	ssyncset.done @!p2 $0x0  }
0x6c: {  	s31 =	simm.s32 @!p2 $0x14C80;
	[sflag:s0] =	ssyncadd.s32 @!p2 $0xFFFFC000;
	s0 =	simm.s32 @!p2 $0x80  }
0x6d: {  	[tilespmem:s31], [sflag:$0x6] =	stream.indirect.gather @!p2 [spmem:s2], $0x80, s26, s0, $0xb8;
	[tilespmem:$0x1CC80] =	vst v63  }
0x6e: {  	s0 =	simm.s32 @p1 $0x4;
	p2 =	seq.s32 @!p1 s30, $0x4  }
0x6f: {  	_ =	swait.ge @p1 [sflag:s0], $0x4000;
	p3 =	por !p2, p1  }
0x70: {  	s31 =	simm.s32 @p1 $0xCC80;
	[sflag:s0] =	ssyncset.done @p1 $0x0;
	p4 =	sgt.u32 @!p3 s28, $0x11  }
0x71: {  	[sflag:s0] =	ssyncadd.s32 @p1 $0xFFFFC000;
	s0 =	simm.s32 @p1 $0x0;
	p4 =	por @!p1 p4, !p2  }
0x72: {  	[hbm4b:s29+s0] =	stream.linear.scatter @p1 [tilespmem:s31], [sflag:$0xA], $0x4000, $0x38;
	[tilespmem:$0x1CC80] =	vst v63  }
0x73: {  	p4 =	por p4, p1  }
0x74: {  	s0 =	simm.s32 @!p4 $0x7  }
0x75: {  	_ =	swait.ge @!p4 [sflag:s0], $0x4000  }
0x76: {  	[sflag:s0] =	ssyncset.done @!p4 $0x0  }
0x77: {  	s30 =	simm.s32 @!p4 $0xC80;
	[sflag:s0] =	ssyncadd.s32 @!p4 $0xFFFFC000;
	s0 =	simm.s32 @!p4 $0x80  }
0x78: {  	[tilespmem:s30], [sflag:$0x1] =	stream.indirect.gather @!p4 [spmem:s2], $0x80, s26, s0, $0xb8;
	[tilespmem:$0x1CC80] =	vst v63  }
0x79: {  	s0 =	simm.s32 @!p3 $0x5  }
0x7a: {  	_ =	swait.ge @!p3 [sflag:s0], $0x4000  }
0x7b: {  	[sflag:s0] =	ssyncset.done @!p3 $0x0  }
0x7c: {  	s30 =	simm.s32 @!p3 $0x10C80;
	[sflag:s0] =	ssyncadd.s32 @!p3 $0xFFFFC000;
	s0 =	simm.s32 @!p3 $0x0  }
0x7d: {  	[hbm4b:s29+s0] =	stream.linear.scatter @!p3 [tilespmem:s30], [sflag:$0xB], $0x4000, $0x38;
	[tilespmem:$0x1CC80] =	vst v63  }
0x7e: {  	p3 =	por p2, p1  }
0x7f: {  	p4 =	sgt.u32 @!p3 s28, $0x11  }
0x80: {  	p2 =	por @!p1 p4, p2  }
0x81: {  	p1 =	por p2, p1  }
0x82: {  	s0 =	simm.s32 @!p1 $0x8  }
0x83: {  	_ =	swait.ge @!p1 [sflag:s0], $0x4000  }
0x84: {  	[sflag:s0] =	ssyncset.done @!p1 $0x0  }
0x85: {  	s30 =	simm.s32 @!p1 $0x4C80;
	[sflag:s0] =	ssyncadd.s32 @!p1 $0xFFFFC000;
	s0 =	simm.s32 @!p1 $0x80  }
0x86: {  	[tilespmem:s30], [sflag:$0x2] =	stream.indirect.gather @!p1 [spmem:s2], $0x80, s26, s0, $0xb8;
	[tilespmem:$0x1CC80] =	vst v63  }
0x87: {  	s0 =	simm.s32 @!p3 $0x6  }
0x88: {  	_ =	swait.ge @!p3 [sflag:s0], $0x4000  }
0x89: {  	[sflag:s0] =	ssyncset.done @!p3 $0x0  }
0x8a: {  	s30 =	simm.s32 @!p3 $0x14C80;
	[sflag:s0] =	ssyncadd.s32 @!p3 $0xFFFFC000;
	s0 =	simm.s32 @!p3 $0x0  }
0x8b: {  	[hbm4b:s29+s0] =	stream.linear.scatter @!p3 [tilespmem:s30], [sflag:$0xC], $0x4000, $0x38;
	[tilespmem:$0x1CC80] =	vst v63  }
.LBB2_5:
0x8c: {  	s28 =	sadd.s32 $0x1, s28  }
0x8d: {  	p1 =	sne.s32 s28, $0x14  }
.Ltmp3:
0x8e: {  	_ = 	snop;
	(pc) =	sbr.rel @!p1 .LBB2_6-.Ltmp3, $2  }
0x8f: {  	_ =	sdelay $0x2  }
0x90: {  	s29 =	sadd.s32 $0x800, s29;
	s26 =	sadd.s32 $0x80, s26  }
.LBB2_2:
0x91: {  	s30 =	sadd.s32 $0x4, s28  }
0x92: {  	s31 =	smul.u32 $0xAB, s30;
	_ =	sdelay $0x1  }
0x93: {  	s31 =	sshrl.u32 s31, $0xA  }
0x94: {  	s31 =	sand.u32 $0x3F, s31  }
0x95: {  	s31 =	smul.u32 $0x6, s31;
	_ =	sdelay $0x1  }
0x96: {  	s30 =	ssub.s32 s30, s31  }
0x97: {  	s30 =	sand.u32 $0xFF, s30  }
0x98: {  	p1 =	sgt.s32 s30, $0x2  }
.Ltmp4:
0x99: {  	_ = 	snop;
	(pc) =	sbr.rel @p1 .LBB2_4-.Ltmp4, $1  }
0x9a: {  	_ =	sdelay $0x3  }
0x9b: {  	p1 =	seq.s32 s30, $0x0  }
0x9c: {  	p2 =	sgt.u32 @p1 s28, $0x11  }
0x9d: {  	p2 =	por p2, !p1  }
0x9e: {  	s31 =	simm.s32 @!p2 $0x9  }
0x9f: {  	_ =	swait.ge @!p2 [sflag:s31], $0x4000  }
0xa0: {  	[sflag:s31] =	ssyncset.done @!p2 $0x0  }
0xa1: {  	s0 =	simm.s32 @!p2 $0x8C80;
	[sflag:s31] =	ssyncadd.s32 @!p2 $0xFFFFC000;
	s31 =	simm.s32 @!p2 $0x80  }
0xa2: {  	[tilespmem:s0], [sflag:$0x3] =	stream.indirect.gather @!p2 [spmem:s2], $0x80, s26, s31, $0xb8;
	[tilespmem:$0x1CC80] =	vst v63  }
0xa3: {  	s0 =	simm.s32 @p1 $0x1;
	p2 =	seq.s32 @!p1 s30, $0x1  }
0xa4: {  	_ =	swait.ge @p1 [sflag:s0], $0x4000;
	p3 =	por !p2, p1  }
0xa5: {  	s31 =	simm.s32 @p1 $0xC80;
	[sflag:s0] =	ssyncset.done @p1 $0x0;
	p4 =	sgt.u32 @!p3 s28, $0x11  }
0xa6: {  	[sflag:s0] =	ssyncadd.s32 @p1 $0xFFFFC000;
	s0 =	simm.s32 @p1 $0x0;
	p4 =	por @!p1 p4, !p2  }
0xa7: {  	[hbm4b:s29+s0] =	stream.linear.scatter @p1 [tilespmem:s31], [sflag:$0x7], $0x4000, $0x38;
	[tilespmem:$0x1CC80] =	vst v63  }
0xa8: {  	p4 =	por p4, p1  }
0xa9: {  	s0 =	simm.s32 @!p4 $0xA  }
0xaa: {  	_ =	swait.ge @!p4 [sflag:s0], $0x4000  }
0xab: {  	[sflag:s0] =	ssyncset.done @!p4 $0x0  }
0xac: {  	s30 =	simm.s32 @!p4 $0xCC80;
	[sflag:s0] =	ssyncadd.s32 @!p4 $0xFFFFC000;
	s0 =	simm.s32 @!p4 $0x80  }
0xad: {  	[tilespmem:s30], [sflag:$0x4] =	stream.indirect.gather @!p4 [spmem:s2], $0x80, s26, s0, $0xb8;
	[tilespmem:$0x1CC80] =	vst v63  }
0xae: {  	s0 =	simm.s32 @!p3 $0x2  }
0xaf: {  	_ =	swait.ge @!p3 [sflag:s0], $0x4000  }
0xb0: {  	[sflag:s0] =	ssyncset.done @!p3 $0x0  }
0xb1: {  	s30 =	simm.s32 @!p3 $0x4C80;
	[sflag:s0] =	ssyncadd.s32 @!p3 $0xFFFFC000;
	s0 =	simm.s32 @!p3 $0x0  }
0xb2: {  	[hbm4b:s29+s0] =	stream.linear.scatter @!p3 [tilespmem:s30], [sflag:$0x8], $0x4000, $0x38;
	[tilespmem:$0x1CC80] =	vst v63  }
0xb3: {  	p3 =	por p2, p1  }
0xb4: {  	p4 =	sgt.u32 @!p3 s28, $0x11  }
0xb5: {  	p2 =	por @!p1 p4, p2  }
0xb6: {  	p1 =	por p2, p1  }
0xb7: {  	s0 =	simm.s32 @!p1 $0xB  }
0xb8: {  	_ =	swait.ge @!p1 [sflag:s0], $0x4000  }
0xb9: {  	[sflag:s0] =	ssyncset.done @!p1 $0x0  }
0xba: {  	s30 =	simm.s32 @!p1 $0x10C80;
	[sflag:s0] =	ssyncadd.s32 @!p1 $0xFFFFC000;
	s0 =	simm.s32 @!p1 $0x80  }
0xbb: {  	[tilespmem:s30], [sflag:$0x5] =	stream.indirect.gather @!p1 [spmem:s2], $0x80, s26, s0, $0xb8;
	[tilespmem:$0x1CC80] =	vst v63  }
.Ltmp5:
0xbc: {  	s0 =	simm.s32 @!p3 $0x3;
	(pc) =	sbr.rel .LBB2_5-.Ltmp5, $4  }
0xbd: {  	_ =	swait.ge @!p3 [sflag:s0], $0x4000  }
0xbe: {  	[sflag:s0] =	ssyncset.done @!p3 $0x0  }
0xbf: {  	s30 =	simm.s32 @!p3 $0x8C80;
	[sflag:s0] =	ssyncadd.s32 @!p3 $0xFFFFC000;
	s0 =	simm.s32 @!p3 $0x0  }
0xc0: {  	[hbm4b:s29+s0] =	stream.linear.scatter @!p3 [tilespmem:s30], [sflag:$0x9], $0x4000, $0x38;
	[tilespmem:$0x1CC80] =	vst v63  }
.LBB2_7:
0xc1: {  	_ =	sfence.sel $0x180000  }
0xc2: {  	[bflag:$0x0] =	sbarrier.arrive $0xFFFF  }
0xc3: {  	_ =	strace $0x90000047  }
0xc4: {  	[bflag:$0x2] =	sbarrier.arrive $0xFFFF  }
0xc5: {  	p0 =	sne.s32 s1, $0x0;
	s0 =	rddreg [dreg:$0x4]  }
0xc6: {  	s0 =	sadd.s32 @!p0 $0x100000, s0  }
0xc7: {  	[sflag:s0] =	ssyncadd.tile.s32 @!p0 $0x1;
	_ =	shalt  }
.Lfunc_end2:
_tile_overlayer_lowered:
.L_overlay_start_2:
0xc8: {  	(tag) =	ssettag $0x2  }
0xc9: {  	s0 =	rddreg [dreg:$0x0];
	s2 =	stileid.u32  }
0xca: {  	s1 =	rddreg [dreg:$0x1];
	p0 =	sne.s32 s2, $0x0  }
0xcb: {  	s3 =	rddreg [dreg:$0x2];
	[bflag:$0x3] =	sbarrier.arrive $0xFFFF;
	s2 =	simm.s32 @!p0 $0x1C0E  }
0xcc: {  	[timem:s3], [sflag:s2] =	dma.local @!p0 [hbm:s0], s1  }
0xcd: {  	s0 =	simm.s32 @!p0 $0xE  }
0xce: {  	_ =	swait.ge @!p0 [sflag:s0], s1  }
0xcf: {  	s1 =	ssub.s32 @!p0 $0x0, s1;
	[sflag:s0] =	ssyncset.done @!p0 $0x0  }
0xd0: {  	[sflag:s0] =	ssyncadd.s32 @!p0 s1  }
0xd1: {  	[bflag:$0x3] =	sbarrier.arrive $0xFFFF  }
0xd2: {  	_ =	shalt  }

</sc_bundles>
